<compile_context>
chip_gen: v7x
topology: tpu7x:2x2x1
jax: 0.10.2.dev20260603
libtpu: 0.0.44.dev20260713+nightly
codegen_flags: <defaults>
</compile_context>

<pallas_src>
import functools

import jax
import jax.numpy as jnp
from jax import lax
from jax.experimental import pallas as pl
from jax.experimental.pallas import tpu as pltpu, tpu_sc as plsc

_B, _S, _D, _L = 64, 512, 512, 154
_NPOS, _NNEG = 4, 4
_NC, _NS = 2, 16
_NW = _NC * _NS
_BPW = _B // _NW
_RW = 7
_NWLP = _L // _RW
_NV = _D // 16

def _sc_body(pos_idx_hbm, neg_idx_hbm, table_hbm, wlp_hbm,
             out_pos, out_neg, out_wlp,
             pidx_v, nidx_v, widx_v,
             prows_v, nrows_v, pred_v, nred_v,
             lrows_v, wrows_v, wacc_v, psem, nsem, lsem, wsem):
    wid = lax.axis_index("s") * _NC + lax.axis_index("c")
    li = jnp.arange(16, dtype=jnp.int32)

    pltpu.sync_copy(pos_idx_hbm.at[pl.ds(wid * (_BPW * _NPOS), _BPW * _NPOS)],
                    pidx_v)
    pltpu.sync_copy(neg_idx_hbm.at[pl.ds(wid * (_BPW * _NNEG), _BPW * _NNEG)],
                    nidx_v)
    copies = [
        pltpu.async_copy(table_hbm.at[pidx_v], prows_v, psem),
        pltpu.async_copy(table_hbm.at[nidx_v], nrows_v, nsem),
    ]

    @pl.when(wid < _NWLP)
    def _():
        r0 = wid * _RW
        widx_v[...] = jnp.minimum(li + r0, _L - 1)
        lcopy = pltpu.async_copy(table_hbm.at[widx_v], lrows_v, lsem)
        wcopy = pltpu.async_copy(
            wlp_hbm.at[pl.ds(r0 * _D, _RW * _D)], wrows_v, wsem)
        lcopy.wait()
        wcopy.wait()

        def wlp_body(i, acc):
            r = lax.div(i, _NV)
            j = lax.rem(i, _NV)
            return acc + (lrows_v[r, pl.ds(j * 16, 16)]
                          * wrows_v[pl.ds(i * 16, 16)])

        wacc_v[0, :] = lax.fori_loop(
            0, _RW * _NV, wlp_body, jnp.zeros((16,), jnp.float32))
    @pl.when(wid >= _NWLP)
    def _():
        wacc_v[0, :] = jnp.zeros((16,), jnp.float32)
    pltpu.sync_copy(wacc_v, out_wlp.at[pl.ds(wid, 1)])

    for c in copies:
        c.wait()
    for b in range(_BPW):
        def red_body(j, carry, b=b):
            sl = pl.ds(j * 16, 16)
            p0 = prows_v[b * _NPOS + 0, sl]
            p1 = prows_v[b * _NPOS + 1, sl]
            p2 = prows_v[b * _NPOS + 2, sl]
            p3 = prows_v[b * _NPOS + 3, sl]
            pred_v[b, sl] = jnp.maximum(jnp.maximum(p0, p1), jnp.maximum(p2, p3))
            n0 = nrows_v[b * _NNEG + 0, sl]
            n1 = nrows_v[b * _NNEG + 1, sl]
            n2 = nrows_v[b * _NNEG + 2, sl]
            n3 = nrows_v[b * _NNEG + 3, sl]
            nred_v[b, sl] = (n0 + n1 + n2 + n3) * 0.25
            return carry

        lax.fori_loop(0, _NV, red_body, jnp.int32(0))
    pltpu.sync_copy(pred_v, out_pos.at[pl.ds(wid * _BPW, _BPW)])
    pltpu.sync_copy(nred_v, out_neg.at[pl.ds(wid * _BPW, _BPW)])


@functools.cache
def _get_sc_kernel():
    return pl.kernel(
        _sc_body,
        mesh=plsc.VectorSubcoreMesh(core_axis_name="c", subcore_axis_name="s"),
        out_type=(
            jax.ShapeDtypeStruct((_B, _D), jnp.float32),
            jax.ShapeDtypeStruct((_B, _D), jnp.float32),
            jax.ShapeDtypeStruct((_NW, 16), jnp.float32),
        ),
        scratch_types=[
            pltpu.VMEM((_BPW * _NPOS,), jnp.int32),
            pltpu.VMEM((_BPW * _NNEG,), jnp.int32),
            pltpu.VMEM((16,), jnp.int32),
            pltpu.VMEM((_BPW * _NPOS, _D), jnp.float32),
            pltpu.VMEM((_BPW * _NNEG, _D), jnp.float32),
            pltpu.VMEM((_BPW, _D), jnp.float32),
            pltpu.VMEM((_BPW, _D), jnp.float32),
            pltpu.VMEM((16, _D), jnp.float32),
            pltpu.VMEM((_RW * _D,), jnp.float32),
            pltpu.VMEM((1, 16), jnp.float32),
            pltpu.SemaphoreType.DMA,
            pltpu.SemaphoreType.DMA,
            pltpu.SemaphoreType.DMA,
            pltpu.SemaphoreType.DMA,
        ],
    )


_NBUF = 4
_BPC = 4
_NCHUNK = _B // _BPC


def _mean_body(text_ref, o_ref, buf, sem):
    for ch in range(min(_NBUF, _NCHUNK)):
        pltpu.make_async_copy(
            text_ref.at[pl.ds(ch * _BPC, _BPC)], buf.at[ch % _NBUF],
            sem.at[ch % _NBUF]).start()
    for ch in range(_NCHUNK):
        i = ch % _NBUF
        pltpu.make_async_copy(
            text_ref.at[pl.ds(ch * _BPC, _BPC)], buf.at[i], sem.at[i]).wait()
        for g in range(_BPC):
            row = ch * _BPC + g
            acc = jnp.sum(buf[i, g], axis=0, keepdims=True)
            o_ref[pl.ds(row, 1), :] = acc * (1.0 / _S)
        nxt = ch + _NBUF
        if nxt < _NCHUNK:
            pltpu.make_async_copy(
                text_ref.at[pl.ds(nxt * _BPC, _BPC)], buf.at[i],
                sem.at[i]).start()


_tc_mean = pl.pallas_call(
    _mean_body,
    in_specs=[pl.BlockSpec(memory_space=pl.ANY)],
    out_specs=pl.BlockSpec(memory_space=pltpu.VMEM),
    out_shape=jax.ShapeDtypeStruct((_B, _D), jnp.float32),
    scratch_shapes=[
        pltpu.VMEM((_NBUF, _BPC, _S, _D), jnp.float32),
        pltpu.SemaphoreType.DMA((_NBUF,)),
    ],
)


def _tail_body(t_ref, p_ref, n_ref, prior_ref, lab_ref,
               w1_ref, w2_ref, w3_ref, wlpacc_ref,
               sim_ref, lpl_ref, lw_ref):
    t = t_ref[...]
    p = p_ref[...]
    n = n_ref[...]
    eps = 1e-8

    def _norm(v):
        return jnp.maximum(jnp.sqrt(jnp.sum(v * v, axis=1, keepdims=True)), eps)

    tn = _norm(t)
    cp = jnp.sum(t * p, axis=1, keepdims=True) / (tn * _norm(p))
    cn = jnp.sum(t * n, axis=1, keepdims=True) / (tn * _norm(n))
    sim_ref[...] = jnp.reshape(jnp.sum(cn - cp) * (1.0 / _B), (1, 1))

    def _mlp_z(x):
        h = jnp.maximum(
            jnp.dot(x, w1_ref[...], preferred_element_type=jnp.float32), 0.0)
        h = jnp.maximum(
            jnp.dot(h, w2_ref[...], preferred_element_type=jnp.float32), 0.0)
        return jnp.dot(h, w3_ref[...], preferred_element_type=jnp.float32)

    zp = _mlp_z(prior_ref[...])
    zy = _mlp_z(lab_ref[...])
    dp = 1.0 / (1.0 + jnp.exp(-zp))
    dy = 1.0 / (1.0 + jnp.exp(-zy))
    lpl_ref[...] = jnp.reshape(
        jnp.sum(-(jnp.log(dp) + jnp.log(1.0 - dy))) * (1.0 / _L), (1, 1))

    logit = jnp.reshape(jnp.sum(wlpacc_ref[...]), (1, 1))
    lw_ref[...] = 1.0 / (1.0 + jnp.exp(-logit))


_tail = pl.pallas_call(
    _tail_body,
    out_shape=[
        jax.ShapeDtypeStruct((1, 1), jnp.float32),
        jax.ShapeDtypeStruct((1, 1), jnp.float32),
        jax.ShapeDtypeStruct((1, 1), jnp.float32),
    ],
)


def kernel(text_feature, all_labels_feature, logits, label_index,
           neg_labels_ids, label_prior, W_lp, b_lp, W1, b1, W2, b2, W3, b3):
    pos_max, neg_mean, wlp_acc = _get_sc_kernel()(
        label_index.reshape(-1).astype(jnp.int32),
        neg_labels_ids.reshape(-1).astype(jnp.int32),
        all_labels_feature, W_lp)
    tmean = _tc_mean(text_feature)
    sim, lpl, lw = _tail(
        tmean, pos_max, neg_mean, label_prior, all_labels_feature,
        W1, W2, W3, wlp_acc)
    return sim[0, 0], lpl[0, 0], logits, lw.reshape(1)

# --- scband reference (transcript-rebuilt; emitter-appended) ---
"""Pipeline reference for scband-aesmns-mlc-89086211654290 (READ-ONLY COPY).

The authoritative reference and input builder live on the scoring server;
editing this copy changes nothing except your own understanding.
"""

import jax, jax.numpy as jnp
import numpy as np

B, S, D, L = 64, 512, 512, 154
N_POS, N_NEG = 4, 4
H1, H2 = 1000, 200

def setup_inputs(seed: int = 0) -> dict:
    key = jax.random.key(seed)
    ks = jax.random.split(key, 14)
    text_feature = jax.random.normal(ks[0], (B, S, D), dtype=jnp.float32)
    all_labels_feature = jax.random.normal(ks[1], (L, D), dtype=jnp.float32)
    logits = jax.random.normal(ks[2], (B, L), dtype=jnp.float32)
    label_index = jax.random.randint(ks[3], (B, N_POS), 0, L)
    neg_labels_ids = jax.random.randint(ks[4], (B, N_NEG), 0, L)
    label_prior = jax.random.uniform(ks[5], (L, D), dtype=jnp.float32)
    # labelpriorweight_linear: Linear(L*D, 1)
    W_lp = jax.random.normal(ks[6], (L * D,), dtype=jnp.float32) * 0.01
    b_lp = jnp.zeros((1,), dtype=jnp.float32)
    # LabelPriorDiscriminator: D -> H1 -> H2 -> 1, relu/relu/sigmoid
    W1 = jax.random.normal(ks[7], (D, H1), dtype=jnp.float32) * 0.01
    b1 = jnp.zeros((H1,), dtype=jnp.float32)
    W2 = jax.random.normal(ks[8], (H1, H2), dtype=jnp.float32) * 0.01
    b2 = jnp.zeros((H2,), dtype=jnp.float32)
    W3 = jax.random.normal(ks[9], (H2, 1), dtype=jnp.float32) * 0.01
    b3 = jnp.zeros((1,), dtype=jnp.float32)
    return {"text_feature": text_feature, "all_labels_feature": all_labels_feature,
            "logits": logits, "label_index": label_index, "neg_labels_ids": neg_labels_ids,
            "label_prior": label_prior, "W_lp": W_lp, "b_lp": b_lp,
            "W1": W1, "b1": b1, "W2": W2, "b2": b2, "W3": W3, "b3": b3}

def _cosine(a, b, eps=1e-8):
    na = jnp.maximum(jnp.linalg.norm(a, axis=-1), eps)
    nb = jnp.maximum(jnp.linalg.norm(b, axis=-1), eps)
    return jnp.sum(a * b, axis=-1) / (na * nb)

def reference(text_feature, all_labels_feature, logits, label_index, neg_labels_ids,
              label_prior, W_lp, b_lp, W1, b1, W2, b2, W3, b3):
    def disc(x):
        h = jax.nn.relu(x @ W1 + b1)
        h = jax.nn.relu(h @ W2 + b2)
        return jax.nn.sigmoid(h @ W3 + b3)

    # similarity loss (batched version of the per-sample loop)
    pos_feats = jnp.take(all_labels_feature, label_index, axis=0)        # [B, n_pos, D]
    weighted_sum_label_emb = jnp.max(pos_feats, axis=1)                   # topk(k=1) over labels -> [B, D]
    each_text_feature = jnp.mean(text_feature, axis=1)                    # [B, D]
    sim_pos = _cosine(each_text_feature, weighted_sum_label_emb)          # [B]
    neg_feats = jnp.take(all_labels_feature, neg_labels_ids, axis=0)      # [B, n_neg, D]
    neg_label_combinedemb = jnp.mean(neg_feats, axis=1)                   # [B]
    sim_neg = _cosine(each_text_feature, neg_label_combinedemb)
    similarity_loss = jnp.mean(-sim_pos + sim_neg)

    # label prior loss (vectorized over L labels)
    d_prior = disc(label_prior)                                           # [L, 1]
    d_y = disc(all_labels_feature)                                        # [L, 1]
    term_a = jnp.mean(jnp.log(d_prior), axis=1)                           # [L]
    term_b = jnp.mean(jnp.log(1.0 - d_y), axis=1)                         # [L]
    label_prior_loss = jnp.mean(-(term_a + term_b))

    # label prior weight: sigmoid(Linear(flatten(all_labels_feature)))
    labelprior_weightlogit = all_labels_feature.reshape(-1) @ W_lp + b_lp
    labelprior_weight = jax.nn.sigmoid(labelprior_weightlogit)

    return (similarity_loss, label_prior_loss, logits, labelprior_weight)

if __name__ == "__main__":
    import jax
    _d = setup_inputs()
    print(jax.jit(kernel)(*tuple(_d.values())))

</pallas_src>

<mosaic_0001>
#map = affine_map<(d0, d1) -> (0)>
#map1 = affine_map<(d0, d1) -> (0, 0)>
module attributes {stable_mosaic.version = 14 : i64} {
  func.func @_sc_body(%arg0: i32, %arg1: i32, %arg2: memref<256xi32, #tpu.memory_space<hbm>>, %arg3: memref<256xi32, #tpu.memory_space<hbm>>, %arg4: memref<154x512xf32, #tpu.memory_space<hbm>>, %arg5: memref<78848xf32, #tpu.memory_space<hbm>>, %arg6: memref<64x512xf32, #tpu.memory_space<hbm>>, %arg7: memref<64x512xf32, #tpu.memory_space<hbm>>, %arg8: memref<32x16xf32, #tpu.memory_space<hbm>>, %arg9: memref<8xi32, #tpu.memory_space<vmem>>, %arg10: memref<8xi32, #tpu.memory_space<vmem>>, %arg11: memref<16xi32, #tpu.memory_space<vmem>>, %arg12: memref<8x512xf32, #tpu.memory_space<vmem>>, %arg13: memref<8x512xf32, #tpu.memory_space<vmem>>, %arg14: memref<2x512xf32, #tpu.memory_space<vmem>>, %arg15: memref<2x512xf32, #tpu.memory_space<vmem>>, %arg16: memref<16x512xf32, #tpu.memory_space<vmem>>, %arg17: memref<3584xf32, #tpu.memory_space<vmem>>, %arg18: memref<1x16xf32, #tpu.memory_space<vmem>>, %arg19: memref<!tpu.dma_semaphore, #tpu.memory_space<semaphore_mem>>, %arg20: memref<!tpu.dma_semaphore, #tpu.memory_space<semaphore_mem>>, %arg21: memref<!tpu.dma_semaphore, #tpu.memory_space<semaphore_mem>>, %arg22: memref<!tpu.dma_semaphore, #tpu.memory_space<semaphore_mem>>) attributes {dimension_semantics = [#tpu.dimension_semantics<core_parallel>, #tpu.dimension_semantics<subcore_parallel>], iteration_bounds = array<i64: 2, 16>, scalar_prefetch = 0 : i64, scratch_operands = 14 : i64, tpu.core_type = #tpu.core_type<sc_vector_subcore>, window_params = [{transform_indices = #map}, {transform_indices = #map}, {transform_indices = #map1}, {transform_indices = #map}, {transform_indices = #map1}, {transform_indices = #map1}, {transform_indices = #map1}]} {
    %mul3A = arith.constant 2 : i32
    %mul3A_0 = arith.muli %arg1, %mul3A : i32
    %add3A = arith.addi %mul3A_0, %arg0 : i32
    %iota3A = tpu.iota {dimensions = array<i32: 0>} : vector<16xi32>
    %mul3A_1 = arith.constant 8 : i32
    %mul3A_2 = arith.muli %add3A, %mul3A_1 : i32
    "tpu.region"() ({
      %run_scoped3A = tpu.sem_alloc : memref<!tpu.dma_semaphore, #tpu.memory_space<semaphore_mem>>
      %dma_start3A_36 = tpu.memref_slice %arg2[%mul3A_2] : memref<256xi32, #tpu.memory_space<hbm>> -> memref<8xi32, #tpu.memory_space<hbm>>
      %dma_start3A_37 = tpu.memref_slice %arg2[%mul3A_2] : memref<256xi32, #tpu.memory_space<hbm>> -> memref<8xi32, #tpu.memory_space<hbm>>
      tpu.enqueue_dma source(%dma_start3A_37 : memref<8xi32, #tpu.memory_space<hbm>>) target(%arg9 : memref<8xi32, #tpu.memory_space<vmem>>) target_semaphore(%run_scoped3A : memref<!tpu.dma_semaphore, #tpu.memory_space<semaphore_mem>>)
      %dma_wait3A_38 = tpu.memref_slice %arg2[%mul3A_2] : memref<256xi32, #tpu.memory_space<hbm>> -> memref<8xi32, #tpu.memory_space<hbm>>
      %dma_wait3A_39 = tpu.memref_slice %arg2[%mul3A_2] : memref<256xi32, #tpu.memory_space<hbm>> -> memref<8xi32, #tpu.memory_space<hbm>>
      tpu.wait_dma2 semaphore(%run_scoped3A : memref<!tpu.dma_semaphore, #tpu.memory_space<semaphore_mem>>) src(%dma_wait3A_39 : memref<8xi32, #tpu.memory_space<hbm>>) dst(%arg9 : memref<8xi32, #tpu.memory_space<vmem>>)
      tpu.yield
    }) : () -> ()
    %mul3A_3 = arith.constant 8 : i32
    %mul3A_4 = arith.muli %add3A, %mul3A_3 : i32
    "tpu.region"() ({
      %run_scoped3A = tpu.sem_alloc : memref<!tpu.dma_semaphore, #tpu.memory_space<semaphore_mem>>
      %dma_start3A_36 = tpu.memref_slice %arg3[%mul3A_4] : memref<256xi32, #tpu.memory_space<hbm>> -> memref<8xi32, #tpu.memory_space<hbm>>
      %dma_start3A_37 = tpu.memref_slice %arg3[%mul3A_4] : memref<256xi32, #tpu.memory_space<hbm>> -> memref<8xi32, #tpu.memory_space<hbm>>
      tpu.enqueue_dma source(%dma_start3A_37 : memref<8xi32, #tpu.memory_space<hbm>>) target(%arg10 : memref<8xi32, #tpu.memory_space<vmem>>) target_semaphore(%run_scoped3A : memref<!tpu.dma_semaphore, #tpu.memory_space<semaphore_mem>>)
      %dma_wait3A_38 = tpu.memref_slice %arg3[%mul3A_4] : memref<256xi32, #tpu.memory_space<hbm>> -> memref<8xi32, #tpu.memory_space<hbm>>
      %dma_wait3A_39 = tpu.memref_slice %arg3[%mul3A_4] : memref<256xi32, #tpu.memory_space<hbm>> -> memref<8xi32, #tpu.memory_space<hbm>>
      tpu.wait_dma2 semaphore(%run_scoped3A : memref<!tpu.dma_semaphore, #tpu.memory_space<semaphore_mem>>) src(%dma_wait3A_39 : memref<8xi32, #tpu.memory_space<hbm>>) dst(%arg10 : memref<8xi32, #tpu.memory_space<vmem>>)
      tpu.yield
    }) : () -> ()
    %dma_start3A = arith.constant 0 : i32
    %dma_start3A_5 = arith.constant 0 : i32
    %dma_start3A_6 = tpu.memref_slice %arg4[%dma_start3A, %dma_start3A_5] : memref<154x512xf32, #tpu.memory_space<hbm>> -> memref<154x512xf32, #tpu.memory_space<hbm>>
    tpu.enqueue_indirect_dma source(%dma_start3A_6 : memref<154x512xf32, #tpu.memory_space<hbm>>) target(%arg12 : memref<8x512xf32, #tpu.memory_space<vmem>>) offsets(%arg9 : memref<8xi32, #tpu.memory_space<vmem>>) semaphore(%arg19 : memref<!tpu.dma_semaphore, #tpu.memory_space<semaphore_mem>>)
    %dma_start3A_7 = arith.constant 0 : i32
    %dma_start3A_8 = arith.constant 0 : i32
    %dma_start3A_9 = tpu.memref_slice %arg4[%dma_start3A_7, %dma_start3A_8] : memref<154x512xf32, #tpu.memory_space<hbm>> -> memref<154x512xf32, #tpu.memory_space<hbm>>
    tpu.enqueue_indirect_dma source(%dma_start3A_9 : memref<154x512xf32, #tpu.memory_space<hbm>>) target(%arg13 : memref<8x512xf32, #tpu.memory_space<vmem>>) offsets(%arg10 : memref<8xi32, #tpu.memory_space<vmem>>) semaphore(%arg20 : memref<!tpu.dma_semaphore, #tpu.memory_space<semaphore_mem>>)
    %lt3A = arith.constant 22 : i32
    %lt3A_10 = arith.cmpi slt, %add3A, %lt3A : i32
    %convert_element_type3A = arith.extui %lt3A_10 : i1 to i32
    %cond3A = arith.constant 0 : i32
    %cond3A_11 = arith.cmpi ne, %convert_element_type3A, %cond3A : i32
    scf.if %cond3A_11 {
      %mul3A_36 = arith.constant 7 : i32
      %mul3A_37 = arith.muli %add3A, %mul3A_36 : i32
      %add3A_38 = vector.broadcast %mul3A_37 : i32 to vector<16xi32>
      %add3A_39 = arith.addi %iota3A, %add3A_38 : vector<16xi32>
      %min3A = arith.constant 153 : i32
      %min3A_40 = vector.broadcast %min3A : i32 to vector<16xi32>
      %min3A_41 = arith.minsi %add3A_39, %min3A_40 : vector<16xi32>
      %swap3A = arith.constant 0 : index
      %swap3A_42 = tpu.vector_load %arg11[%swap3A] {strides = array<i32>} : memref<16xi32, #tpu.memory_space<vmem>>, vector<16xi32>,
      %swap3A_43 = vector.shape_cast %swap3A_42 : vector<16xi32> to vector<16xi32>
      %swap3A_44 = vector.shape_cast %min3A_41 : vector<16xi32> to vector<16xi32>
      tpu.vector_store %arg11[%swap3A], %swap3A_44 {strides = array<i32>} : memref<16xi32, #tpu.memory_space<vmem>>, vector<16xi32>,
      %dma_start3A_45 = arith.constant 0 : i32
      %dma_start3A_46 = arith.constant 0 : i32
      %dma_start3A_47 = tpu.memref_slice %arg4[%dma_start3A_45, %dma_start3A_46] : memref<154x512xf32, #tpu.memory_space<hbm>> -> memref<154x512xf32, #tpu.memory_space<hbm>>
      tpu.enqueue_indirect_dma source(%dma_start3A_47 : memref<154x512xf32, #tpu.memory_space<hbm>>) target(%arg16 : memref<16x512xf32, #tpu.memory_space<vmem>>) offsets(%arg11 : memref<16xi32, #tpu.memory_space<vmem>>) semaphore(%arg21 : memref<!tpu.dma_semaphore, #tpu.memory_space<semaphore_mem>>)
      %mul3A_48 = arith.constant 512 : i32
      %mul3A_49 = arith.muli %mul3A_37, %mul3A_48 : i32
      %dma_start3A_50 = tpu.memref_slice %arg5[%mul3A_49] : memref<78848xf32, #tpu.memory_space<hbm>> -> memref<3584xf32, #tpu.memory_space<hbm>>
      %dma_start3A_51 = tpu.memref_slice %arg5[%mul3A_49] : memref<78848xf32, #tpu.memory_space<hbm>> -> memref<3584xf32, #tpu.memory_space<hbm>>
      tpu.enqueue_dma source(%dma_start3A_51 : memref<3584xf32, #tpu.memory_space<hbm>>) target(%arg17 : memref<3584xf32, #tpu.memory_space<vmem>>) target_semaphore(%arg22 : memref<!tpu.dma_semaphore, #tpu.memory_space<semaphore_mem>>)
      %dma_wait3A_52 = arith.constant 0 : i32
      %dma_wait3A_53 = arith.constant 0 : i32
      %dma_wait3A_54 = tpu.memref_slice %arg4[%dma_wait3A_52, %dma_wait3A_53] : memref<154x512xf32, #tpu.memory_space<hbm>> -> memref<154x512xf32, #tpu.memory_space<hbm>>
      tpu.wait_indirect_dma semaphore(%arg21 : memref<!tpu.dma_semaphore, #tpu.memory_space<semaphore_mem>>) src(%dma_wait3A_54 : memref<154x512xf32, #tpu.memory_space<hbm>>) dst(%arg16 : memref<16x512xf32, #tpu.memory_space<vmem>>)
      %dma_wait3A_55 = tpu.memref_slice %arg5[%mul3A_49] : memref<78848xf32, #tpu.memory_space<hbm>> -> memref<3584xf32, #tpu.memory_space<hbm>>
      %dma_wait3A_56 = tpu.memref_slice %arg5[%mul3A_49] : memref<78848xf32, #tpu.memory_space<hbm>> -> memref<3584xf32, #tpu.memory_space<hbm>>
      tpu.wait_dma2 semaphore(%arg22 : memref<!tpu.dma_semaphore, #tpu.memory_space<semaphore_mem>>) src(%dma_wait3A_56 : memref<3584xf32, #tpu.memory_space<hbm>>) dst(%arg17 : memref<3584xf32, #tpu.memory_space<vmem>>)
      %broadcast_in_dim3A = arith.constant 0.000000e+00 : f32
      %broadcast_in_dim3A_57 = vector.broadcast %broadcast_in_dim3A : f32 to vector<16xf32>
      %scan3A_58 = arith.constant 0 : i32
      %scan3A_59 = arith.constant 224 : i32
      %scan3A_60 = arith.addi %scan3A_58, %scan3A_59 : i32
      %scan3A_61 = arith.constant 1 : i32
      %scan3A_62 = scf.for %scan3A_70 = %scan3A_58 to %scan3A_60 step %scan3A_61 iter_args(%scan3A_71 = %broadcast_in_dim3A_57) -> (vector<16xf32>)  : i32 {
        %div3A = arith.constant 32 : i32
        %div3A_72 = arith.divsi %scan3A_70, %div3A : i32
        %rem3A = arith.constant 32 : i32
        %rem3A_73 = arith.remsi %scan3A_70, %rem3A : i32
        %mul3A_74 = arith.constant 16 : i32
        %mul3A_75 = arith.muli %rem3A_73, %mul3A_74 : i32
        %get3A = arith.index_cast %div3A_72 : i32 to index
        %get3A_76 = arith.index_cast %mul3A_75 : i32 to index
        %get3A_77 = tpu.vector_load %arg16[%get3A, %get3A_76] {strides = array<i32>} : memref<16x512xf32, #tpu.memory_space<vmem>>, vector<1x16xf32>,
        %get3A_78 = vector.shape_cast %get3A_77 : vector<1x16xf32> to vector<16xf32>
        %mul3A_79 = arith.constant 16 : i32
        %mul3A_80 = arith.muli %scan3A_70, %mul3A_79 : i32
        %get3A_81 = arith.index_cast %mul3A_80 : i32 to index
        %get3A_82 = tpu.vector_load %arg17[%get3A_81] {strides = array<i32>} : memref<3584xf32, #tpu.memory_space<vmem>>, vector<16xf32>,
        %get3A_83 = vector.shape_cast %get3A_82 : vector<16xf32> to vector<16xf32>
        %mul3A_84 = arith.mulf %get3A_78, %get3A_83 : vector<16xf32>
        %add3A_85 = arith.addf %scan3A_71, %mul3A_84 : vector<16xf32>
        scf.yield %add3A_85 : vector<16xf32>
      }
      %scan3A_63 = arith.constant 224 : i32
      %swap3A_64 = arith.constant 0 : i32
      %swap3A_65 = arith.index_cast %swap3A_64 : i32 to index
      %swap3A_66 = arith.constant 0 : index
      %swap3A_67 = tpu.vector_load %arg18[%swap3A_65, %swap3A_66] {strides = array<i32>} : memref<1x16xf32, #tpu.memory_space<vmem>>, vector<1x16xf32>,
      %swap3A_68 = vector.shape_cast %swap3A_67 : vector<1x16xf32> to vector<16xf32>
      %swap3A_69 = vector.shape_cast %scan3A_62 : vector<16xf32> to vector<1x16xf32>
      tpu.vector_store %arg18[%swap3A_65, %swap3A_66], %swap3A_69 {strides = array<i32>} : memref<1x16xf32, #tpu.memory_space<vmem>>, vector<1x16xf32>,
    } else {
    }
    %ge3A = arith.constant 22 : i32
    %ge3A_12 = arith.cmpi sge, %add3A, %ge3A : i32
    %convert_element_type3A_13 = arith.extui %ge3A_12 : i1 to i32
    %cond3A_14 = arith.constant 0 : i32
    %cond3A_15 = arith.cmpi ne, %convert_element_type3A_13, %cond3A_14 : i32
    scf.if %cond3A_15 {
      %broadcast_in_dim3A = arith.constant 0.000000e+00 : f32
      %broadcast_in_dim3A_36 = vector.broadcast %broadcast_in_dim3A : f32 to vector<16xf32>
      %swap3A = arith.constant 0 : i32
      %swap3A_37 = arith.index_cast %swap3A : i32 to index
      %swap3A_38 = arith.constant 0 : index
      %swap3A_39 = tpu.vector_load %arg18[%swap3A_37, %swap3A_38] {strides = array<i32>} : memref<1x16xf32, #tpu.memory_space<vmem>>, vector<1x16xf32>,
      %swap3A_40 = vector.shape_cast %swap3A_39 : vector<1x16xf32> to vector<16xf32>
      %swap3A_41 = vector.shape_cast %broadcast_in_dim3A_36 : vector<16xf32> to vector<1x16xf32>
      tpu.vector_store %arg18[%swap3A_37, %swap3A_38], %swap3A_41 {strides = array<i32>} : memref<1x16xf32, #tpu.memory_space<vmem>>, vector<1x16xf32>,
    } else {
    }
    "tpu.region"() ({
      %run_scoped3A = tpu.sem_alloc : memref<!tpu.dma_semaphore, #tpu.memory_space<semaphore_mem>>
      %dma_start3A_36 = arith.constant 0 : i32
      %dma_start3A_37 = tpu.memref_slice %arg8[%add3A, %dma_start3A_36] : memref<32x16xf32, #tpu.memory_space<hbm>> -> memref<1x16xf32, #tpu.memory_space<hbm>>
      %dma_start3A_38 = arith.constant 0 : i32
      %dma_start3A_39 = tpu.memref_slice %arg8[%add3A, %dma_start3A_38] : memref<32x16xf32, #tpu.memory_space<hbm>> -> memref<1x16xf32, #tpu.memory_space<hbm>>
      tpu.enqueue_dma source(%arg18 : memref<1x16xf32, #tpu.memory_space<vmem>>) target(%dma_start3A_39 : memref<1x16xf32, #tpu.memory_space<hbm>>) target_semaphore(%run_scoped3A : memref<!tpu.dma_semaphore, #tpu.memory_space<semaphore_mem>>)
      %dma_wait3A_40 = arith.constant 0 : i32
      %dma_wait3A_41 = tpu.memref_slice %arg8[%add3A, %dma_wait3A_40] : memref<32x16xf32, #tpu.memory_space<hbm>> -> memref<1x16xf32, #tpu.memory_space<hbm>>
      %dma_wait3A_42 = arith.constant 0 : i32
      %dma_wait3A_43 = tpu.memref_slice %arg8[%add3A, %dma_wait3A_42] : memref<32x16xf32, #tpu.memory_space<hbm>> -> memref<1x16xf32, #tpu.memory_space<hbm>>
      tpu.wait_dma2 semaphore(%run_scoped3A : memref<!tpu.dma_semaphore, #tpu.memory_space<semaphore_mem>>) src(%arg18 : memref<1x16xf32, #tpu.memory_space<vmem>>) dst(%dma_wait3A_43 : memref<1x16xf32, #tpu.memory_space<hbm>>)
      tpu.yield
    }) : () -> ()
    %dma_wait3A = arith.constant 0 : i32
    %dma_wait3A_16 = arith.constant 0 : i32
    %dma_wait3A_17 = tpu.memref_slice %arg4[%dma_wait3A, %dma_wait3A_16] : memref<154x512xf32, #tpu.memory_space<hbm>> -> memref<154x512xf32, #tpu.memory_space<hbm>>
    tpu.wait_indirect_dma semaphore(%arg19 : memref<!tpu.dma_semaphore, #tpu.memory_space<semaphore_mem>>) src(%dma_wait3A_17 : memref<154x512xf32, #tpu.memory_space<hbm>>) dst(%arg12 : memref<8x512xf32, #tpu.memory_space<vmem>>)
    %dma_wait3A_18 = arith.constant 0 : i32
    %dma_wait3A_19 = arith.constant 0 : i32
    %dma_wait3A_20 = tpu.memref_slice %arg4[%dma_wait3A_18, %dma_wait3A_19] : memref<154x512xf32, #tpu.memory_space<hbm>> -> memref<154x512xf32, #tpu.memory_space<hbm>>
    tpu.wait_indirect_dma semaphore(%arg20 : memref<!tpu.dma_semaphore, #tpu.memory_space<semaphore_mem>>) src(%dma_wait3A_20 : memref<154x512xf32, #tpu.memory_space<hbm>>) dst(%arg13 : memref<8x512xf32, #tpu.memory_space<vmem>>)
    %scan3A = arith.constant 0 : i32
    %scan3A_21 = arith.constant 0 : i32
    %scan3A_22 = arith.constant 32 : i32
    %scan3A_23 = arith.addi %scan3A_21, %scan3A_22 : i32
    %scan3A_24 = arith.constant 1 : i32
    scf.for %scan3A_36 = %scan3A_21 to %scan3A_23 step %scan3A_24  : i32 {
      %mul3A_37 = arith.constant 16 : i32
      %mul3A_38 = arith.muli %scan3A_36, %mul3A_37 : i32
      %get3A = arith.constant 0 : i32
      %get3A_39 = arith.index_cast %get3A : i32 to index
      %get3A_40 = arith.index_cast %mul3A_38 : i32 to index
      %get3A_41 = tpu.vector_load %arg12[%get3A_39, %get3A_40] {strides = array<i32>} : memref<8x512xf32, #tpu.memory_space<vmem>>, vector<1x16xf32>,
      %get3A_42 = vector.shape_cast %get3A_41 : vector<1x16xf32> to vector<16xf32>
      %get3A_43 = arith.constant 1 : i32
      %get3A_44 = arith.index_cast %get3A_43 : i32 to index
      %get3A_45 = arith.index_cast %mul3A_38 : i32 to index
      %get3A_46 = tpu.vector_load %arg12[%get3A_44, %get3A_45] {strides = array<i32>} : memref<8x512xf32, #tpu.memory_space<vmem>>, vector<1x16xf32>,
      %get3A_47 = vector.shape_cast %get3A_46 : vector<1x16xf32> to vector<16xf32>
      %get3A_48 = arith.constant 2 : i32
      %get3A_49 = arith.index_cast %get3A_48 : i32 to index
      %get3A_50 = arith.index_cast %mul3A_38 : i32 to index
      %get3A_51 = tpu.vector_load %arg12[%get3A_49, %get3A_50] {strides = array<i32>} : memref<8x512xf32, #tpu.memory_space<vmem>>, vector<1x16xf32>,
      %get3A_52 = vector.shape_cast %get3A_51 : vector<1x16xf32> to vector<16xf32>
      %get3A_53 = arith.constant 3 : i32
      %get3A_54 = arith.index_cast %get3A_53 : i32 to index
      %get3A_55 = arith.index_cast %mul3A_38 : i32 to index
      %get3A_56 = tpu.vector_load %arg12[%get3A_54, %get3A_55] {strides = array<i32>} : memref<8x512xf32, #tpu.memory_space<vmem>>, vector<1x16xf32>,
      %get3A_57 = vector.shape_cast %get3A_56 : vector<1x16xf32> to vector<16xf32>
      %max3A = arith.maximumf %get3A_42, %get3A_47 : vector<16xf32>
      %max3A_58 = arith.maximumf %get3A_52, %get3A_57 : vector<16xf32>
      %max3A_59 = arith.maximumf %max3A, %max3A_58 : vector<16xf32>
      %swap3A = arith.constant 0 : i32
      %swap3A_60 = arith.index_cast %swap3A : i32 to index
      %swap3A_61 = arith.index_cast %mul3A_38 : i32 to index
      %swap3A_62 = tpu.vector_load %arg14[%swap3A_60, %swap3A_61] {strides = array<i32>} : memref<2x512xf32, #tpu.memory_space<vmem>>, vector<1x16xf32>,
      %swap3A_63 = vector.shape_cast %swap3A_62 : vector<1x16xf32> to vector<16xf32>
      %swap3A_64 = vector.shape_cast %max3A_59 : vector<16xf32> to vector<1x16xf32>
      tpu.vector_store %arg14[%swap3A_60, %swap3A_61], %swap3A_64 {strides = array<i32>} : memref<2x512xf32, #tpu.memory_space<vmem>>, vector<1x16xf32>,
      %get3A_65 = arith.constant 0 : i32
      %get3A_66 = arith.index_cast %get3A_65 : i32 to index
      %get3A_67 = arith.index_cast %mul3A_38 : i32 to index
      %get3A_68 = tpu.vector_load %arg13[%get3A_66, %get3A_67] {strides = array<i32>} : memref<8x512xf32, #tpu.memory_space<vmem>>, vector<1x16xf32>,
      %get3A_69 = vector.shape_cast %get3A_68 : vector<1x16xf32> to vector<16xf32>
      %get3A_70 = arith.constant 1 : i32
      %get3A_71 = arith.index_cast %get3A_70 : i32 to index
      %get3A_72 = arith.index_cast %mul3A_38 : i32 to index
      %get3A_73 = tpu.vector_load %arg13[%get3A_71, %get3A_72] {strides = array<i32>} : memref<8x512xf32, #tpu.memory_space<vmem>>, vector<1x16xf32>,
      %get3A_74 = vector.shape_cast %get3A_73 : vector<1x16xf32> to vector<16xf32>
      %get3A_75 = arith.constant 2 : i32
      %get3A_76 = arith.index_cast %get3A_75 : i32 to index
      %get3A_77 = arith.index_cast %mul3A_38 : i32 to index
      %get3A_78 = tpu.vector_load %arg13[%get3A_76, %get3A_77] {strides = array<i32>} : memref<8x512xf32, #tpu.memory_space<vmem>>, vector<1x16xf32>,
      %get3A_79 = vector.shape_cast %get3A_78 : vector<1x16xf32> to vector<16xf32>
      %get3A_80 = arith.constant 3 : i32
      %get3A_81 = arith.index_cast %get3A_80 : i32 to index
      %get3A_82 = arith.index_cast %mul3A_38 : i32 to index
      %get3A_83 = tpu.vector_load %arg13[%get3A_81, %get3A_82] {strides = array<i32>} : memref<8x512xf32, #tpu.memory_space<vmem>>, vector<1x16xf32>,
      %get3A_84 = vector.shape_cast %get3A_83 : vector<1x16xf32> to vector<16xf32>
      %add3A_85 = arith.addf %get3A_69, %get3A_74 : vector<16xf32>
      %add3A_86 = arith.addf %add3A_85, %get3A_79 : vector<16xf32>
      %add3A_87 = arith.addf %add3A_86, %get3A_84 : vector<16xf32>
      %mul3A_88 = arith.constant 2.500000e-01 : f32
      %mul3A_89 = vector.broadcast %mul3A_88 : f32 to vector<16xf32>
      %mul3A_90 = arith.mulf %add3A_87, %mul3A_89 : vector<16xf32>
      %swap3A_91 = arith.constant 0 : i32
      %swap3A_92 = arith.index_cast %swap3A_91 : i32 to index
      %swap3A_93 = arith.index_cast %mul3A_38 : i32 to index
      %swap3A_94 = tpu.vector_load %arg15[%swap3A_92, %swap3A_93] {strides = array<i32>} : memref<2x512xf32, #tpu.memory_space<vmem>>, vector<1x16xf32>,
      %swap3A_95 = vector.shape_cast %swap3A_94 : vector<1x16xf32> to vector<16xf32>
      %swap3A_96 = vector.shape_cast %mul3A_90 : vector<16xf32> to vector<1x16xf32>
      tpu.vector_store %arg15[%swap3A_92, %swap3A_93], %swap3A_96 {strides = array<i32>} : memref<2x512xf32, #tpu.memory_space<vmem>>, vector<1x16xf32>,
    }
    %scan3A_25 = arith.constant 32 : i32
    %scan3A_26 = arith.constant 0 : i32
    %scan3A_27 = arith.constant 0 : i32
    %scan3A_28 = arith.constant 32 : i32
    %scan3A_29 = arith.addi %scan3A_27, %scan3A_28 : i32
    %scan3A_30 = arith.constant 1 : i32
    scf.for %scan3A_36 = %scan3A_27 to %scan3A_29 step %scan3A_30  : i32 {
      %mul3A_37 = arith.constant 16 : i32
      %mul3A_38 = arith.muli %scan3A_36, %mul3A_37 : i32
      %get3A = arith.constant 4 : i32
      %get3A_39 = arith.index_cast %get3A : i32 to index
      %get3A_40 = arith.index_cast %mul3A_38 : i32 to index
      %get3A_41 = tpu.vector_load %arg12[%get3A_39, %get3A_40] {strides = array<i32>} : memref<8x512xf32, #tpu.memory_space<vmem>>, vector<1x16xf32>,
      %get3A_42 = vector.shape_cast %get3A_41 : vector<1x16xf32> to vector<16xf32>
      %get3A_43 = arith.constant 5 : i32
      %get3A_44 = arith.index_cast %get3A_43 : i32 to index
      %get3A_45 = arith.index_cast %mul3A_38 : i32 to index
      %get3A_46 = tpu.vector_load %arg12[%get3A_44, %get3A_45] {strides = array<i32>} : memref<8x512xf32, #tpu.memory_space<vmem>>, vector<1x16xf32>,
      %get3A_47 = vector.shape_cast %get3A_46 : vector<1x16xf32> to vector<16xf32>
      %get3A_48 = arith.constant 6 : i32
      %get3A_49 = arith.index_cast %get3A_48 : i32 to index
      %get3A_50 = arith.index_cast %mul3A_38 : i32 to index
      %get3A_51 = tpu.vector_load %arg12[%get3A_49, %get3A_50] {strides = array<i32>} : memref<8x512xf32, #tpu.memory_space<vmem>>, vector<1x16xf32>,
      %get3A_52 = vector.shape_cast %get3A_51 : vector<1x16xf32> to vector<16xf32>
      %get3A_53 = arith.constant 7 : i32
      %get3A_54 = arith.index_cast %get3A_53 : i32 to index
      %get3A_55 = arith.index_cast %mul3A_38 : i32 to index
      %get3A_56 = tpu.vector_load %arg12[%get3A_54, %get3A_55] {strides = array<i32>} : memref<8x512xf32, #tpu.memory_space<vmem>>, vector<1x16xf32>,
      %get3A_57 = vector.shape_cast %get3A_56 : vector<1x16xf32> to vector<16xf32>
      %max3A = arith.maximumf %get3A_42, %get3A_47 : vector<16xf32>
      %max3A_58 = arith.maximumf %get3A_52, %get3A_57 : vector<16xf32>
      %max3A_59 = arith.maximumf %max3A, %max3A_58 : vector<16xf32>
      %swap3A = arith.constant 1 : i32
      %swap3A_60 = arith.index_cast %swap3A : i32 to index
      %swap3A_61 = arith.index_cast %mul3A_38 : i32 to index
      %swap3A_62 = tpu.vector_load %arg14[%swap3A_60, %swap3A_61] {strides = array<i32>} : memref<2x512xf32, #tpu.memory_space<vmem>>, vector<1x16xf32>,
      %swap3A_63 = vector.shape_cast %swap3A_62 : vector<1x16xf32> to vector<16xf32>
      %swap3A_64 = vector.shape_cast %max3A_59 : vector<16xf32> to vector<1x16xf32>
      tpu.vector_store %arg14[%swap3A_60, %swap3A_61], %swap3A_64 {strides = array<i32>} : memref<2x512xf32, #tpu.memory_space<vmem>>, vector<1x16xf32>,
      %get3A_65 = arith.constant 4 : i32
      %get3A_66 = arith.index_cast %get3A_65 : i32 to index
      %get3A_67 = arith.index_cast %mul3A_38 : i32 to index
      %get3A_68 = tpu.vector_load %arg13[%get3A_66, %get3A_67] {strides = array<i32>} : memref<8x512xf32, #tpu.memory_space<vmem>>, vector<1x16xf32>,
      %get3A_69 = vector.shape_cast %get3A_68 : vector<1x16xf32> to vector<16xf32>
      %get3A_70 = arith.constant 5 : i32
      %get3A_71 = arith.index_cast %get3A_70 : i32 to index
      %get3A_72 = arith.index_cast %mul3A_38 : i32 to index
      %get3A_73 = tpu.vector_load %arg13[%get3A_71, %get3A_72] {strides = array<i32>} : memref<8x512xf32, #tpu.memory_space<vmem>>, vector<1x16xf32>,
      %get3A_74 = vector.shape_cast %get3A_73 : vector<1x16xf32> to vector<16xf32>
      %get3A_75 = arith.constant 6 : i32
      %get3A_76 = arith.index_cast %get3A_75 : i32 to index
      %get3A_77 = arith.index_cast %mul3A_38 : i32 to index
      %get3A_78 = tpu.vector_load %arg13[%get3A_76, %get3A_77] {strides = array<i32>} : memref<8x512xf32, #tpu.memory_space<vmem>>, vector<1x16xf32>,
      %get3A_79 = vector.shape_cast %get3A_78 : vector<1x16xf32> to vector<16xf32>
      %get3A_80 = arith.constant 7 : i32
      %get3A_81 = arith.index_cast %get3A_80 : i32 to index
      %get3A_82 = arith.index_cast %mul3A_38 : i32 to index
      %get3A_83 = tpu.vector_load %arg13[%get3A_81, %get3A_82] {strides = array<i32>} : memref<8x512xf32, #tpu.memory_space<vmem>>, vector<1x16xf32>,
      %get3A_84 = vector.shape_cast %get3A_83 : vector<1x16xf32> to vector<16xf32>
      %add3A_85 = arith.addf %get3A_69, %get3A_74 : vector<16xf32>
      %add3A_86 = arith.addf %add3A_85, %get3A_79 : vector<16xf32>
      %add3A_87 = arith.addf %add3A_86, %get3A_84 : vector<16xf32>
      %mul3A_88 = arith.constant 2.500000e-01 : f32
      %mul3A_89 = vector.broadcast %mul3A_88 : f32 to vector<16xf32>
      %mul3A_90 = arith.mulf %add3A_87, %mul3A_89 : vector<16xf32>
      %swap3A_91 = arith.constant 1 : i32
      %swap3A_92 = arith.index_cast %swap3A_91 : i32 to index
      %swap3A_93 = arith.index_cast %mul3A_38 : i32 to index
      %swap3A_94 = tpu.vector_load %arg15[%swap3A_92, %swap3A_93] {strides = array<i32>} : memref<2x512xf32, #tpu.memory_space<vmem>>, vector<1x16xf32>,
      %swap3A_95 = vector.shape_cast %swap3A_94 : vector<1x16xf32> to vector<16xf32>
      %swap3A_96 = vector.shape_cast %mul3A_90 : vector<16xf32> to vector<1x16xf32>
      tpu.vector_store %arg15[%swap3A_92, %swap3A_93], %swap3A_96 {strides = array<i32>} : memref<2x512xf32, #tpu.memory_space<vmem>>, vector<1x16xf32>,
    }
    %scan3A_31 = arith.constant 32 : i32
    %mul3A_32 = arith.constant 2 : i32
    %mul3A_33 = arith.muli %add3A, %mul3A_32 : i32
    "tpu.region"() ({
      %run_scoped3A = tpu.sem_alloc : memref<!tpu.dma_semaphore, #tpu.memory_space<semaphore_mem>>
      %dma_start3A_36 = arith.constant 0 : i32
      %dma_start3A_37 = tpu.memref_slice %arg6[%mul3A_33, %dma_start3A_36] : memref<64x512xf32, #tpu.memory_space<hbm>> -> memref<2x512xf32, #tpu.memory_space<hbm>>
      %dma_start3A_38 = arith.constant 0 : i32
      %dma_start3A_39 = tpu.memref_slice %arg6[%mul3A_33, %dma_start3A_38] : memref<64x512xf32, #tpu.memory_space<hbm>> -> memref<2x512xf32, #tpu.memory_space<hbm>>
      tpu.enqueue_dma source(%arg14 : memref<2x512xf32, #tpu.memory_space<vmem>>) target(%dma_start3A_39 : memref<2x512xf32, #tpu.memory_space<hbm>>) target_semaphore(%run_scoped3A : memref<!tpu.dma_semaphore, #tpu.memory_space<semaphore_mem>>)
      %dma_wait3A_40 = arith.constant 0 : i32
      %dma_wait3A_41 = tpu.memref_slice %arg6[%mul3A_33, %dma_wait3A_40] : memref<64x512xf32, #tpu.memory_space<hbm>> -> memref<2x512xf32, #tpu.memory_space<hbm>>
      %dma_wait3A_42 = arith.constant 0 : i32
      %dma_wait3A_43 = tpu.memref_slice %arg6[%mul3A_33, %dma_wait3A_42] : memref<64x512xf32, #tpu.memory_space<hbm>> -> memref<2x512xf32, #tpu.memory_space<hbm>>
      tpu.wait_dma2 semaphore(%run_scoped3A : memref<!tpu.dma_semaphore, #tpu.memory_space<semaphore_mem>>) src(%arg14 : memref<2x512xf32, #tpu.memory_space<vmem>>) dst(%dma_wait3A_43 : memref<2x512xf32, #tpu.memory_space<hbm>>)
      tpu.yield
    }) : () -> ()
    %mul3A_34 = arith.constant 2 : i32
    %mul3A_35 = arith.muli %add3A, %mul3A_34 : i32
    "tpu.region"() ({
      %run_scoped3A = tpu.sem_alloc : memref<!tpu.dma_semaphore, #tpu.memory_space<semaphore_mem>>
      %dma_start3A_36 = arith.constant 0 : i32
      %dma_start3A_37 = tpu.memref_slice %arg7[%mul3A_35, %dma_start3A_36] : memref<64x512xf32, #tpu.memory_space<hbm>> -> memref<2x512xf32, #tpu.memory_space<hbm>>
      %dma_start3A_38 = arith.constant 0 : i32
      %dma_start3A_39 = tpu.memref_slice %arg7[%mul3A_35, %dma_start3A_38] : memref<64x512xf32, #tpu.memory_space<hbm>> -> memref<2x512xf32, #tpu.memory_space<hbm>>
      tpu.enqueue_dma source(%arg15 : memref<2x512xf32, #tpu.memory_space<vmem>>) target(%dma_start3A_39 : memref<2x512xf32, #tpu.memory_space<hbm>>) target_semaphore(%run_scoped3A : memref<!tpu.dma_semaphore, #tpu.memory_space<semaphore_mem>>)
      %dma_wait3A_40 = arith.constant 0 : i32
      %dma_wait3A_41 = tpu.memref_slice %arg7[%mul3A_35, %dma_wait3A_40] : memref<64x512xf32, #tpu.memory_space<hbm>> -> memref<2x512xf32, #tpu.memory_space<hbm>>
      %dma_wait3A_42 = arith.constant 0 : i32
      %dma_wait3A_43 = tpu.memref_slice %arg7[%mul3A_35, %dma_wait3A_42] : memref<64x512xf32, #tpu.memory_space<hbm>> -> memref<2x512xf32, #tpu.memory_space<hbm>>
      tpu.wait_dma2 semaphore(%run_scoped3A : memref<!tpu.dma_semaphore, #tpu.memory_space<semaphore_mem>>) src(%arg15 : memref<2x512xf32, #tpu.memory_space<vmem>>) dst(%dma_wait3A_43 : memref<2x512xf32, #tpu.memory_space<hbm>>)
      tpu.yield
    }) : () -> ()
    return
  }
}

module attributes {stable_mosaic.version = 14 : i64} {
  func.func @_mean_body(%arg0: memref<64x512x512xf32, #tpu.memory_space<any>>, %arg1: memref<64x512xf32, #tpu.memory_space<vmem>>, %arg2: memref<4x4x512x512xf32, #tpu.memory_space<vmem>>, %arg3: memref<4x!tpu.dma_semaphore, #tpu.memory_space<semaphore_mem>>) attributes {dimension_semantics = [], scalar_prefetch = 0 : i64, scratch_operands = 2 : i64, tpu.core_type = #tpu.core_type<tc>} {
    %dma_start3A = arith.constant 0 : i32
    %dma_start3A_0 = arith.constant 0 : i32
    %dma_start3A_1 = tpu.memref_slice %arg3[%dma_start3A_0] : memref<4x!tpu.dma_semaphore, #tpu.memory_space<semaphore_mem>> -> memref<1x!tpu.dma_semaphore, #tpu.memory_space<semaphore_mem>>
    %dma_start3A_2 = tpu.memref_squeeze %dma_start3A_1 : memref<1x!tpu.dma_semaphore, #tpu.memory_space<semaphore_mem>> -> memref<!tpu.dma_semaphore, #tpu.memory_space<semaphore_mem>>
    %dma_start3A_3 = arith.constant 0 : i32
    %dma_start3A_4 = arith.constant 0 : i32
    %dma_start3A_5 = arith.constant 0 : i32
    %dma_start3A_6 = tpu.memref_slice %arg2[%dma_start3A, %dma_start3A_3, %dma_start3A_4, %dma_start3A_5] : memref<4x4x512x512xf32, #tpu.memory_space<vmem>> -> memref<1x4x512x512xf32, #tpu.memory_space<vmem>>
    %dma_start3A_7 = tpu.memref_squeeze %dma_start3A_6 : memref<1x4x512x512xf32, #tpu.memory_space<vmem>> -> memref<4x512x512xf32, #tpu.memory_space<vmem>>
    %dma_start3A_8 = arith.constant 0 : i32
    %dma_start3A_9 = arith.constant 0 : i32
    %dma_start3A_10 = arith.constant 0 : i32
    %dma_start3A_11 = tpu.memref_slice %arg0[%dma_start3A_8, %dma_start3A_9, %dma_start3A_10] : memref<64x512x512xf32, #tpu.memory_space<any>> -> memref<4x512x512xf32, #tpu.memory_space<any>>
    tpu.enqueue_dma source(%dma_start3A_11 : memref<4x512x512xf32, #tpu.memory_space<any>>) target(%dma_start3A_7 : memref<4x512x512xf32, #tpu.memory_space<vmem>>) target_semaphore(%dma_start3A_2 : memref<!tpu.dma_semaphore, #tpu.memory_space<semaphore_mem>>)
    %dma_start3A_12 = arith.constant 1 : i32
    %dma_start3A_13 = arith.constant 1 : i32
    %dma_start3A_14 = tpu.memref_slice %arg3[%dma_start3A_13] : memref<4x!tpu.dma_semaphore, #tpu.memory_space<semaphore_mem>> -> memref<1x!tpu.dma_semaphore, #tpu.memory_space<semaphore_mem>>
    %dma_start3A_15 = tpu.memref_squeeze %dma_start3A_14 : memref<1x!tpu.dma_semaphore, #tpu.memory_space<semaphore_mem>> -> memref<!tpu.dma_semaphore, #tpu.memory_space<semaphore_mem>>
    %dma_start3A_16 = arith.constant 0 : i32
    %dma_start3A_17 = arith.constant 0 : i32
    %dma_start3A_18 = arith.constant 0 : i32
    %dma_start3A_19 = tpu.memref_slice %arg2[%dma_start3A_12, %dma_start3A_16, %dma_start3A_17, %dma_start3A_18] : memref<4x4x512x512xf32, #tpu.memory_space<vmem>> -> memref<1x4x512x512xf32, #tpu.memory_space<vmem>>
    %dma_start3A_20 = tpu.memref_squeeze %dma_start3A_19 : memref<1x4x512x512xf32, #tpu.memory_space<vmem>> -> memref<4x512x512xf32, #tpu.memory_space<vmem>>
    %dma_start3A_21 = arith.constant 4 : i32
    %dma_start3A_22 = arith.constant 0 : i32
    %dma_start3A_23 = arith.constant 0 : i32
    %dma_start3A_24 = tpu.memref_slice %arg0[%dma_start3A_21, %dma_start3A_22, %dma_start3A_23] : memref<64x512x512xf32, #tpu.memory_space<any>> -> memref<4x512x512xf32, #tpu.memory_space<any>>
    tpu.enqueue_dma source(%dma_start3A_24 : memref<4x512x512xf32, #tpu.memory_space<any>>) target(%dma_start3A_20 : memref<4x512x512xf32, #tpu.memory_space<vmem>>) target_semaphore(%dma_start3A_15 : memref<!tpu.dma_semaphore, #tpu.memory_space<semaphore_mem>>)
    %dma_start3A_25 = arith.constant 2 : i32
    %dma_start3A_26 = arith.constant 2 : i32
    %dma_start3A_27 = tpu.memref_slice %arg3[%dma_start3A_26] : memref<4x!tpu.dma_semaphore, #tpu.memory_space<semaphore_mem>> -> memref<1x!tpu.dma_semaphore, #tpu.memory_space<semaphore_mem>>
    %dma_start3A_28 = tpu.memref_squeeze %dma_start3A_27 : memref<1x!tpu.dma_semaphore, #tpu.memory_space<semaphore_mem>> -> memref<!tpu.dma_semaphore, #tpu.memory_space<semaphore_mem>>
    %dma_start3A_29 = arith.constant 0 : i32
    %dma_start3A_30 = arith.constant 0 : i32
    %dma_start3A_31 = arith.constant 0 : i32
    %dma_start3A_32 = tpu.memref_slice %arg2[%dma_start3A_25, %dma_start3A_29, %dma_start3A_30, %dma_start3A_31] : memref<4x4x512x512xf32, #tpu.memory_space<vmem>> -> memref<1x4x512x512xf32, #tpu.memory_space<vmem>>
    %dma_start3A_33 = tpu.memref_squeeze %dma_start3A_32 : memref<1x4x512x512xf32, #tpu.memory_space<vmem>> -> memref<4x512x512xf32, #tpu.memory_space<vmem>>
    %dma_start3A_34 = arith.constant 8 : i32
    %dma_start3A_35 = arith.constant 0 : i32
    %dma_start3A_36 = arith.constant 0 : i32
    %dma_start3A_37 = tpu.memref_slice %arg0[%dma_start3A_34, %dma_start3A_35, %dma_start3A_36] : memref<64x512x512xf32, #tpu.memory_space<any>> -> memref<4x512x512xf32, #tpu.memory_space<any>>
    tpu.enqueue_dma source(%dma_start3A_37 : memref<4x512x512xf32, #tpu.memory_space<any>>) target(%dma_start3A_33 : memref<4x512x512xf32, #tpu.memory_space<vmem>>) target_semaphore(%dma_start3A_28 : memref<!tpu.dma_semaphore, #tpu.memory_space<semaphore_mem>>)
    %dma_start3A_38 = arith.constant 3 : i32
    %dma_start3A_39 = arith.constant 3 : i32
    %dma_start3A_40 = tpu.memref_slice %arg3[%dma_start3A_39] : memref<4x!tpu.dma_semaphore, #tpu.memory_space<semaphore_mem>> -> memref<1x!tpu.dma_semaphore, #tpu.memory_space<semaphore_mem>>
    %dma_start3A_41 = tpu.memref_squeeze %dma_start3A_40 : memref<1x!tpu.dma_semaphore, #tpu.memory_space<semaphore_mem>> -> memref<!tpu.dma_semaphore, #tpu.memory_space<semaphore_mem>>
    %dma_start3A_42 = arith.constant 0 : i32
    %dma_start3A_43 = arith.constant 0 : i32
    %dma_start3A_44 = arith.constant 0 : i32
    %dma_start3A_45 = tpu.memref_slice %arg2[%dma_start3A_38, %dma_start3A_42, %dma_start3A_43, %dma_start3A_44] : memref<4x4x512x512xf32, #tpu.memory_space<vmem>> -> memref<1x4x512x512xf32, #tpu.memory_space<vmem>>
    %dma_start3A_46 = tpu.memref_squeeze %dma_start3A_45 : memref<1x4x512x512xf32, #tpu.memory_space<vmem>> -> memref<4x512x512xf32, #tpu.memory_space<vmem>>
    %dma_start3A_47 = arith.constant 12 : i32
    %dma_start3A_48 = arith.constant 0 : i32
    %dma_start3A_49 = arith.constant 0 : i32
    %dma_start3A_50 = tpu.memref_slice %arg0[%dma_start3A_47, %dma_start3A_48, %dma_start3A_49] : memref<64x512x512xf32, #tpu.memory_space<any>> -> memref<4x512x512xf32, #tpu.memory_space<any>>
    tpu.enqueue_dma source(%dma_start3A_50 : memref<4x512x512xf32, #tpu.memory_space<any>>) target(%dma_start3A_46 : memref<4x512x512xf32, #tpu.memory_space<vmem>>) target_semaphore(%dma_start3A_41 : memref<!tpu.dma_semaphore, #tpu.memory_space<semaphore_mem>>)
    %dma_wait3A = arith.constant 0 : i32
    %dma_wait3A_51 = arith.constant 0 : i32
    %dma_wait3A_52 = tpu.memref_slice %arg3[%dma_wait3A_51] : memref<4x!tpu.dma_semaphore, #tpu.memory_space<semaphore_mem>> -> memref<1x!tpu.dma_semaphore, #tpu.memory_space<semaphore_mem>>
    %dma_wait3A_53 = tpu.memref_squeeze %dma_wait3A_52 : memref<1x!tpu.dma_semaphore, #tpu.memory_space<semaphore_mem>> -> memref<!tpu.dma_semaphore, #tpu.memory_space<semaphore_mem>>
    %dma_wait3A_54 = arith.constant 0 : i32
    %dma_wait3A_55 = arith.constant 0 : i32
    %dma_wait3A_56 = arith.constant 0 : i32
    %dma_wait3A_57 = tpu.memref_slice %arg2[%dma_wait3A, %dma_wait3A_54, %dma_wait3A_55, %dma_wait3A_56] : memref<4x4x512x512xf32, #tpu.memory_space<vmem>> -> memref<1x4x512x512xf32, #tpu.memory_space<vmem>>
    %dma_wait3A_58 = tpu.memref_squeeze %dma_wait3A_57 : memref<1x4x512x512xf32, #tpu.memory_space<vmem>> -> memref<4x512x512xf32, #tpu.memory_space<vmem>>
    %dma_wait3A_59 = arith.constant 0 : i32
    %dma_wait3A_60 = arith.constant 0 : i32
    %dma_wait3A_61 = arith.constant 0 : i32
    %dma_wait3A_62 = tpu.memref_slice %arg0[%dma_wait3A_59, %dma_wait3A_60, %dma_wait3A_61] : memref<64x512x512xf32, #tpu.memory_space<any>> -> memref<4x512x512xf32, #tpu.memory_space<any>>
    tpu.wait_dma2 semaphore(%dma_wait3A_53 : memref<!tpu.dma_semaphore, #tpu.memory_space<semaphore_mem>>) src(%dma_wait3A_62 : memref<4x512x512xf32, #tpu.memory_space<any>>) dst(%dma_wait3A_58 : memref<4x512x512xf32, #tpu.memory_space<vmem>>)
    %get3A = arith.constant 0 : index
    %get3A_63 = arith.constant 0 : index
    %get3A_64 = arith.constant 0 : index
    %get3A_65 = arith.constant 0 : index
    %get3A_66 = vector.load %arg2[%get3A, %get3A_63, %get3A_64, %get3A_65] : memref<4x4x512x512xf32, #tpu.memory_space<vmem>>, vector<1x1x512x512xf32>
    %get3A_67 = vector.shape_cast %get3A_66 : vector<1x1x512x512xf32> to vector<512x512xf32>
    %reduce_sum3A = arith.constant dense<0.000000e+00> : vector<512xf32>
    %reduce_sum3A_68 = vector.multi_reduction <add>, %get3A_67, %reduce_sum3A [0] : vector<512x512xf32> to vector<512xf32>
    %broadcast_in_dim3A = vector.shape_cast %reduce_sum3A_68 : vector<512xf32> to vector<1x512xf32>
    %mul3A = arith.constant 0.001953125 : f32
    %mul3A_69 = vector.broadcast %mul3A : f32 to vector<1x512xf32>
    %mul3A_70 = arith.mulf %broadcast_in_dim3A, %mul3A_69 : vector<1x512xf32>
    %swap3A = arith.constant 0 : index
    %swap3A_71 = arith.constant 0 : index
    %swap3A_72 = vector.load %arg1[%swap3A, %swap3A_71] : memref<64x512xf32, #tpu.memory_space<vmem>>, vector<1x512xf32>
    tpu.vector_store %arg1[%swap3A, %swap3A_71], %mul3A_70 {strides = array<i32>} : memref<64x512xf32, #tpu.memory_space<vmem>>, vector<1x512xf32>,
    %get3A_73 = arith.constant 0 : index
    %get3A_74 = arith.constant 1 : index
    %get3A_75 = arith.constant 0 : index
    %get3A_76 = arith.constant 0 : index
    %get3A_77 = vector.load %arg2[%get3A_73, %get3A_74, %get3A_75, %get3A_76] : memref<4x4x512x512xf32, #tpu.memory_space<vmem>>, vector<1x1x512x512xf32>
    %get3A_78 = vector.shape_cast %get3A_77 : vector<1x1x512x512xf32> to vector<512x512xf32>
    %reduce_sum3A_79 = arith.constant dense<0.000000e+00> : vector<512xf32>
    %reduce_sum3A_80 = vector.multi_reduction <add>, %get3A_78, %reduce_sum3A_79 [0] : vector<512x512xf32> to vector<512xf32>
    %broadcast_in_dim3A_81 = vector.shape_cast %reduce_sum3A_80 : vector<512xf32> to vector<1x512xf32>
    %mul3A_82 = arith.constant 0.001953125 : f32
    %mul3A_83 = vector.broadcast %mul3A_82 : f32 to vector<1x512xf32>
    %mul3A_84 = arith.mulf %broadcast_in_dim3A_81, %mul3A_83 : vector<1x512xf32>
    %swap3A_85 = arith.constant 1 : index
    %swap3A_86 = arith.constant 0 : index
    %swap3A_87 = vector.load %arg1[%swap3A_85, %swap3A_86] : memref<64x512xf32, #tpu.memory_space<vmem>>, vector<1x512xf32>
    tpu.vector_store %arg1[%swap3A_85, %swap3A_86], %mul3A_84 {strides = array<i32>} : memref<64x512xf32, #tpu.memory_space<vmem>>, vector<1x512xf32>,
    %get3A_88 = arith.constant 0 : index
    %get3A_89 = arith.constant 2 : index
    %get3A_90 = arith.constant 0 : index
    %get3A_91 = arith.constant 0 : index
    %get3A_92 = vector.load %arg2[%get3A_88, %get3A_89, %get3A_90, %get3A_91] : memref<4x4x512x512xf32, #tpu.memory_space<vmem>>, vector<1x1x512x512xf32>
    %get3A_93 = vector.shape_cast %get3A_92 : vector<1x1x512x512xf32> to vector<512x512xf32>
    %reduce_sum3A_94 = arith.constant dense<0.000000e+00> : vector<512xf32>
    %reduce_sum3A_95 = vector.multi_reduction <add>, %get3A_93, %reduce_sum3A_94 [0] : vector<512x512xf32> to vector<512xf32>
    %broadcast_in_dim3A_96 = vector.shape_cast %reduce_sum3A_95 : vector<512xf32> to vector<1x512xf32>
    %mul3A_97 = arith.constant 0.001953125 : f32
    %mul3A_98 = vector.broadcast %mul3A_97 : f32 to vector<1x512xf32>
    %mul3A_99 = arith.mulf %broadcast_in_dim3A_96, %mul3A_98 : vector<1x512xf32>
    %swap3A_100 = arith.constant 2 : index
    %swap3A_101 = arith.constant 0 : index
    %swap3A_102 = vector.load %arg1[%swap3A_100, %swap3A_101] : memref<64x512xf32, #tpu.memory_space<vmem>>, vector<1x512xf32>
    tpu.vector_store %arg1[%swap3A_100, %swap3A_101], %mul3A_99 {strides = array<i32>} : memref<64x512xf32, #tpu.memory_space<vmem>>, vector<1x512xf32>,
    %get3A_103 = arith.constant 0 : index
    %get3A_104 = arith.constant 3 : index
    %get3A_105 = arith.constant 0 : index
    %get3A_106 = arith.constant 0 : index
    %get3A_107 = vector.load %arg2[%get3A_103, %get3A_104, %get3A_105, %get3A_106] : memref<4x4x512x512xf32, #tpu.memory_space<vmem>>, vector<1x1x512x512xf32>
    %get3A_108 = vector.shape_cast %get3A_107 : vector<1x1x512x512xf32> to vector<512x512xf32>
    %reduce_sum3A_109 = arith.constant dense<0.000000e+00> : vector<512xf32>
    %reduce_sum3A_110 = vector.multi_reduction <add>, %get3A_108, %reduce_sum3A_109 [0] : vector<512x512xf32> to vector<512xf32>
    %broadcast_in_dim3A_111 = vector.shape_cast %reduce_sum3A_110 : vector<512xf32> to vector<1x512xf32>
    %mul3A_112 = arith.constant 0.001953125 : f32
    %mul3A_113 = vector.broadcast %mul3A_112 : f32 to vector<1x512xf32>
    %mul3A_114 = arith.mulf %broadcast_in_dim3A_111, %mul3A_113 : vector<1x512xf32>
    %swap3A_115 = arith.constant 3 : index
    %swap3A_116 = arith.constant 0 : index
    %swap3A_117 = vector.load %arg1[%swap3A_115, %swap3A_116] : memref<64x512xf32, #tpu.memory_space<vmem>>, vector<1x512xf32>
    tpu.vector_store %arg1[%swap3A_115, %swap3A_116], %mul3A_114 {strides = array<i32>} : memref<64x512xf32, #tpu.memory_space<vmem>>, vector<1x512xf32>,
    %dma_start3A_118 = arith.constant 0 : i32
    %dma_start3A_119 = arith.constant 0 : i32
    %dma_start3A_120 = tpu.memref_slice %arg3[%dma_start3A_119] : memref<4x!tpu.dma_semaphore, #tpu.memory_space<semaphore_mem>> -> memref<1x!tpu.dma_semaphore, #tpu.memory_space<semaphore_mem>>
    %dma_start3A_121 = tpu.memref_squeeze %dma_start3A_120 : memref<1x!tpu.dma_semaphore, #tpu.memory_space<semaphore_mem>> -> memref<!tpu.dma_semaphore, #tpu.memory_space<semaphore_mem>>
    %dma_start3A_122 = arith.constant 0 : i32
    %dma_start3A_123 = arith.constant 0 : i32
    %dma_start3A_124 = arith.constant 0 : i32
    %dma_start3A_125 = tpu.memref_slice %arg2[%dma_start3A_118, %dma_start3A_122, %dma_start3A_123, %dma_start3A_124] : memref<4x4x512x512xf32, #tpu.memory_space<vmem>> -> memref<1x4x512x512xf32, #tpu.memory_space<vmem>>
    %dma_start3A_126 = tpu.memref_squeeze %dma_start3A_125 : memref<1x4x512x512xf32, #tpu.memory_space<vmem>> -> memref<4x512x512xf32, #tpu.memory_space<vmem>>
    %dma_start3A_127 = arith.constant 16 : i32
    %dma_start3A_128 = arith.constant 0 : i32
    %dma_start3A_129 = arith.constant 0 : i32
    %dma_start3A_130 = tpu.memref_slice %arg0[%dma_start3A_127, %dma_start3A_128, %dma_start3A_129] : memref<64x512x512xf32, #tpu.memory_space<any>> -> memref<4x512x512xf32, #tpu.memory_space<any>>
    tpu.enqueue_dma source(%dma_start3A_130 : memref<4x512x512xf32, #tpu.memory_space<any>>) target(%dma_start3A_126 : memref<4x512x512xf32, #tpu.memory_space<vmem>>) target_semaphore(%dma_start3A_121 : memref<!tpu.dma_semaphore, #tpu.memory_space<semaphore_mem>>)
    %dma_wait3A_131 = arith.constant 1 : i32
    %dma_wait3A_132 = arith.constant 1 : i32
    %dma_wait3A_133 = tpu.memref_slice %arg3[%dma_wait3A_132] : memref<4x!tpu.dma_semaphore, #tpu.memory_space<semaphore_mem>> -> memref<1x!tpu.dma_semaphore, #tpu.memory_space<semaphore_mem>>
    %dma_wait3A_134 = tpu.memref_squeeze %dma_wait3A_133 : memref<1x!tpu.dma_semaphore, #tpu.memory_space<semaphore_mem>> -> memref<!tpu.dma_semaphore, #tpu.memory_space<semaphore_mem>>
    %dma_wait3A_135 = arith.constant 0 : i32
    %dma_wait3A_136 = arith.constant 0 : i32
    %dma_wait3A_137 = arith.constant 0 : i32
    %dma_wait3A_138 = tpu.memref_slice %arg2[%dma_wait3A_131, %dma_wait3A_135, %dma_wait3A_136, %dma_wait3A_137] : memref<4x4x512x512xf32, #tpu.memory_space<vmem>> -> memref<1x4x512x512xf32, #tpu.memory_space<vmem>>
    %dma_wait3A_139 = tpu.memref_squeeze %dma_wait3A_138 : memref<1x4x512x512xf32, #tpu.memory_space<vmem>> -> memref<4x512x512xf32, #tpu.memory_space<vmem>>
    %dma_wait3A_140 = arith.constant 4 : i32
    %dma_wait3A_141 = arith.constant 0 : i32
    %dma_wait3A_142 = arith.constant 0 : i32
    %dma_wait3A_143 = tpu.memref_slice %arg0[%dma_wait3A_140, %dma_wait3A_141, %dma_wait3A_142] : memref<64x512x512xf32, #tpu.memory_space<any>> -> memref<4x512x512xf32, #tpu.memory_space<any>>
    tpu.wait_dma2 semaphore(%dma_wait3A_134 : memref<!tpu.dma_semaphore, #tpu.memory_space<semaphore_mem>>) src(%dma_wait3A_143 : memref<4x512x512xf32, #tpu.memory_space<any>>) dst(%dma_wait3A_139 : memref<4x512x512xf32, #tpu.memory_space<vmem>>)
    %get3A_144 = arith.constant 1 : index
    %get3A_145 = arith.constant 0 : index
    %get3A_146 = arith.constant 0 : index
    %get3A_147 = arith.constant 0 : index
    %get3A_148 = vector.load %arg2[%get3A_144, %get3A_145, %get3A_146, %get3A_147] : memref<4x4x512x512xf32, #tpu.memory_space<vmem>>, vector<1x1x512x512xf32>
    %get3A_149 = vector.shape_cast %get3A_148 : vector<1x1x512x512xf32> to vector<512x512xf32>
    %reduce_sum3A_150 = arith.constant dense<0.000000e+00> : vector<512xf32>
    %reduce_sum3A_151 = vector.multi_reduction <add>, %get3A_149, %reduce_sum3A_150 [0] : vector<512x512xf32> to vector<512xf32>
    %broadcast_in_dim3A_152 = vector.shape_cast %reduce_sum3A_151 : vector<512xf32> to vector<1x512xf32>
    %mul3A_153 = arith.constant 0.001953125 : f32
    %mul3A_154 = vector.broadcast %mul3A_153 : f32 to vector<1x512xf32>
    %mul3A_155 = arith.mulf %broadcast_in_dim3A_152, %mul3A_154 : vector<1x512xf32>
    %swap3A_156 = arith.constant 4 : index
    %swap3A_157 = arith.constant 0 : index
    %swap3A_158 = vector.load %arg1[%swap3A_156, %swap3A_157] : memref<64x512xf32, #tpu.memory_space<vmem>>, vector<1x512xf32>
    tpu.vector_store %arg1[%swap3A_156, %swap3A_157], %mul3A_155 {strides = array<i32>} : memref<64x512xf32, #tpu.memory_space<vmem>>, vector<1x512xf32>,
    %get3A_159 = arith.constant 1 : index
    %get3A_160 = arith.constant 1 : index
    %get3A_161 = arith.constant 0 : index
    %get3A_162 = arith.constant 0 : index
    %get3A_163 = vector.load %arg2[%get3A_159, %get3A_160, %get3A_161, %get3A_162] : memref<4x4x512x512xf32, #tpu.memory_space<vmem>>, vector<1x1x512x512xf32>
    %get3A_164 = vector.shape_cast %get3A_163 : vector<1x1x512x512xf32> to vector<512x512xf32>
    %reduce_sum3A_165 = arith.constant dense<0.000000e+00> : vector<512xf32>
    %reduce_sum3A_166 = vector.multi_reduction <add>, %get3A_164, %reduce_sum3A_165 [0] : vector<512x512xf32> to vector<512xf32>
    %broadcast_in_dim3A_167 = vector.shape_cast %reduce_sum3A_166 : vector<512xf32> to vector<1x512xf32>
    %mul3A_168 = arith.constant 0.001953125 : f32
    %mul3A_169 = vector.broadcast %mul3A_168 : f32 to vector<1x512xf32>
    %mul3A_170 = arith.mulf %broadcast_in_dim3A_167, %mul3A_169 : vector<1x512xf32>
    %swap3A_171 = arith.constant 5 : index
    %swap3A_172 = arith.constant 0 : index
    %swap3A_173 = vector.load %arg1[%swap3A_171, %swap3A_172] : memref<64x512xf32, #tpu.memory_space<vmem>>, vector<1x512xf32>
    tpu.vector_store %arg1[%swap3A_171, %swap3A_172], %mul3A_170 {strides = array<i32>} : memref<64x512xf32, #tpu.memory_space<vmem>>, vector<1x512xf32>,
    %get3A_174 = arith.constant 1 : index
    %get3A_175 = arith.constant 2 : index
    %get3A_176 = arith.constant 0 : index
    %get3A_177 = arith.constant 0 : index
    %get3A_178 = vector.load %arg2[%get3A_174, %get3A_175, %get3A_176, %get3A_177] : memref<4x4x512x512xf32, #tpu.memory_space<vmem>>, vector<1x1x512x512xf32>
    %get3A_179 = vector.shape_cast %get3A_178 : vector<1x1x512x512xf32> to vector<512x512xf32>
    %reduce_sum3A_180 = arith.constant dense<0.000000e+00> : vector<512xf32>
    %reduce_sum3A_181 = vector.multi_reduction <add>, %get3A_179, %reduce_sum3A_180 [0] : vector<512x512xf32> to vector<512xf32>
    %broadcast_in_dim3A_182 = vector.shape_cast %reduce_sum3A_181 : vector<512xf32> to vector<1x512xf32>
    %mul3A_183 = arith.constant 0.001953125 : f32
    %mul3A_184 = vector.broadcast %mul3A_183 : f32 to vector<1x512xf32>
    %mul3A_185 = arith.mulf %broadcast_in_dim3A_182, %mul3A_184 : vector<1x512xf32>
    %swap3A_186 = arith.constant 6 : index
    %swap3A_187 = arith.constant 0 : index
    %swap3A_188 = vector.load %arg1[%swap3A_186, %swap3A_187] : memref<64x512xf32, #tpu.memory_space<vmem>>, vector<1x512xf32>
    tpu.vector_store %arg1[%swap3A_186, %swap3A_187], %mul3A_185 {strides = array<i32>} : memref<64x512xf32, #tpu.memory_space<vmem>>, vector<1x512xf32>,
    %get3A_189 = arith.constant 1 : index
    %get3A_190 = arith.constant 3 : index
    %get3A_191 = arith.constant 0 : index
    %get3A_192 = arith.constant 0 : index
    %get3A_193 = vector.load %arg2[%get3A_189, %get3A_190, %get3A_191, %get3A_192] : memref<4x4x512x512xf32, #tpu.memory_space<vmem>>, vector<1x1x512x512xf32>
    %get3A_194 = vector.shape_cast %get3A_193 : vector<1x1x512x512xf32> to vector<512x512xf32>
    %reduce_sum3A_195 = arith.constant dense<0.000000e+00> : vector<512xf32>
    %reduce_sum3A_196 = vector.multi_reduction <add>, %get3A_194, %reduce_sum3A_195 [0] : vector<512x512xf32> to vector<512xf32>
    %broadcast_in_dim3A_197 = vector.shape_cast %reduce_sum3A_196 : vector<512xf32> to vector<1x512xf32>
    %mul3A_198 = arith.constant 0.001953125 : f32
    %mul3A_199 = vector.broadcast %mul3A_198 : f32 to vector<1x512xf32>
    %mul3A_200 = arith.mulf %broadcast_in_dim3A_197, %mul3A_199 : vector<1x512xf32>
    %swap3A_201 = arith.constant 7 : index
    %swap3A_202 = arith.constant 0 : index
    %swap3A_203 = vector.load %arg1[%swap3A_201, %swap3A_202] : memref<64x512xf32, #tpu.memory_space<vmem>>, vector<1x512xf32>
    tpu.vector_store %arg1[%swap3A_201, %swap3A_202], %mul3A_200 {strides = array<i32>} : memref<64x512xf32, #tpu.memory_space<vmem>>, vector<1x512xf32>,
    %dma_start3A_204 = arith.constant 1 : i32
    %dma_start3A_205 = arith.constant 1 : i32
    %dma_start3A_206 = tpu.memref_slice %arg3[%dma_start3A_205] : memref<4x!tpu.dma_semaphore, #tpu.memory_space<semaphore_mem>> -> memref<1x!tpu.dma_semaphore, #tpu.memory_space<semaphore_mem>>
    %dma_start3A_207 = tpu.memref_squeeze %dma_start3A_206 : memref<1x!tpu.dma_semaphore, #tpu.memory_space<semaphore_mem>> -> memref<!tpu.dma_semaphore, #tpu.memory_space<semaphore_mem>>
    %dma_start3A_208 = arith.constant 0 : i32
    %dma_start3A_209 = arith.constant 0 : i32
    %dma_start3A_210 = arith.constant 0 : i32
    %dma_start3A_211 = tpu.memref_slice %arg2[%dma_start3A_204, %dma_start3A_208, %dma_start3A_209, %dma_start3A_210] : memref<4x4x512x512xf32, #tpu.memory_space<vmem>> -> memref<1x4x512x512xf32, #tpu.memory_space<vmem>>
    %dma_start3A_212 = tpu.memref_squeeze %dma_start3A_211 : memref<1x4x512x512xf32, #tpu.memory_space<vmem>> -> memref<4x512x512xf32, #tpu.memory_space<vmem>>
    %dma_start3A_213 = arith.constant 20 : i32
    %dma_start3A_214 = arith.constant 0 : i32
    %dma_start3A_215 = arith.constant 0 : i32
    %dma_start3A_216 = tpu.memref_slice %arg0[%dma_start3A_213, %dma_start3A_214, %dma_start3A_215] : memref<64x512x512xf32, #tpu.memory_space<any>> -> memref<4x512x512xf32, #tpu.memory_space<any>>
    tpu.enqueue_dma source(%dma_start3A_216 : memref<4x512x512xf32, #tpu.memory_space<any>>) target(%dma_start3A_212 : memref<4x512x512xf32, #tpu.memory_space<vmem>>) target_semaphore(%dma_start3A_207 : memref<!tpu.dma_semaphore, #tpu.memory_space<semaphore_mem>>)
    %dma_wait3A_217 = arith.constant 2 : i32
    %dma_wait3A_218 = arith.constant 2 : i32
    %dma_wait3A_219 = tpu.memref_slice %arg3[%dma_wait3A_218] : memref<4x!tpu.dma_semaphore, #tpu.memory_space<semaphore_mem>> -> memref<1x!tpu.dma_semaphore, #tpu.memory_space<semaphore_mem>>
    %dma_wait3A_220 = tpu.memref_squeeze %dma_wait3A_219 : memref<1x!tpu.dma_semaphore, #tpu.memory_space<semaphore_mem>> -> memref<!tpu.dma_semaphore, #tpu.memory_space<semaphore_mem>>
    %dma_wait3A_221 = arith.constant 0 : i32
    %dma_wait3A_222 = arith.constant 0 : i32
    %dma_wait3A_223 = arith.constant 0 : i32
    %dma_wait3A_224 = tpu.memref_slice %arg2[%dma_wait3A_217, %dma_wait3A_221, %dma_wait3A_222, %dma_wait3A_223] : memref<4x4x512x512xf32, #tpu.memory_space<vmem>> -> memref<1x4x512x512xf32, #tpu.memory_space<vmem>>
    %dma_wait3A_225 = tpu.memref_squeeze %dma_wait3A_224 : memref<1x4x512x512xf32, #tpu.memory_space<vmem>> -> memref<4x512x512xf32, #tpu.memory_space<vmem>>
    %dma_wait3A_226 = arith.constant 8 : i32
    %dma_wait3A_227 = arith.constant 0 : i32
    %dma_wait3A_228 = arith.constant 0 : i32
    %dma_wait3A_229 = tpu.memref_slice %arg0[%dma_wait3A_226, %dma_wait3A_227, %dma_wait3A_228] : memref<64x512x512xf32, #tpu.memory_space<any>> -> memref<4x512x512xf32, #tpu.memory_space<any>>
    tpu.wait_dma2 semaphore(%dma_wait3A_220 : memref<!tpu.dma_semaphore, #tpu.memory_space<semaphore_mem>>) src(%dma_wait3A_229 : memref<4x512x512xf32, #tpu.memory_space<any>>) dst(%dma_wait3A_225 : memref<4x512x512xf32, #tpu.memory_space<vmem>>)
    %get3A_230 = arith.constant 2 : index
    %get3A_231 = arith.constant 0 : index
    %get3A_232 = arith.constant 0 : index
    %get3A_233 = arith.constant 0 : index
    %get3A_234 = vector.load %arg2[%get3A_230, %get3A_231, %get3A_232, %get3A_233] : memref<4x4x512x512xf32, #tpu.memory_space<vmem>>, vector<1x1x512x512xf32>
    %get3A_235 = vector.shape_cast %get3A_234 : vector<1x1x512x512xf32> to vector<512x512xf32>
    %reduce_sum3A_236 = arith.constant dense<0.000000e+00> : vector<512xf32>
    %reduce_sum3A_237 = vector.multi_reduction <add>, %get3A_235, %reduce_sum3A_236 [0] : vector<512x512xf32> to vector<512xf32>
    %broadcast_in_dim3A_238 = vector.shape_cast %reduce_sum3A_237 : vector<512xf32> to vector<1x512xf32>
    %mul3A_239 = arith.constant 0.001953125 : f32
    %mul3A_240 = vector.broadcast %mul3A_239 : f32 to vector<1x512xf32>
    %mul3A_241 = arith.mulf %broadcast_in_dim3A_238, %mul3A_240 : vector<1x512xf32>
    %swap3A_242 = arith.constant 8 : index
    %swap3A_243 = arith.constant 0 : index
    %swap3A_244 = vector.load %arg1[%swap3A_242, %swap3A_243] : memref<64x512xf32, #tpu.memory_space<vmem>>, vector<1x512xf32>
    tpu.vector_store %arg1[%swap3A_242, %swap3A_243], %mul3A_241 {strides = array<i32>} : memref<64x512xf32, #tpu.memory_space<vmem>>, vector<1x512xf32>,
    %get3A_245 = arith.constant 2 : index
    %get3A_246 = arith.constant 1 : index
    %get3A_247 = arith.constant 0 : index
    %get3A_248 = arith.constant 0 : index
    %get3A_249 = vector.load %arg2[%get3A_245, %get3A_246, %get3A_247, %get3A_248] : memref<4x4x512x512xf32, #tpu.memory_space<vmem>>, vector<1x1x512x512xf32>
    %get3A_250 = vector.shape_cast %get3A_249 : vector<1x1x512x512xf32> to vector<512x512xf32>
    %reduce_sum3A_251 = arith.constant dense<0.000000e+00> : vector<512xf32>
    %reduce_sum3A_252 = vector.multi_reduction <add>, %get3A_250, %reduce_sum3A_251 [0] : vector<512x512xf32> to vector<512xf32>
    %broadcast_in_dim3A_253 = vector.shape_cast %reduce_sum3A_252 : vector<512xf32> to vector<1x512xf32>
    %mul3A_254 = arith.constant 0.001953125 : f32
    %mul3A_255 = vector.broadcast %mul3A_254 : f32 to vector<1x512xf32>
    %mul3A_256 = arith.mulf %broadcast_in_dim3A_253, %mul3A_255 : vector<1x512xf32>
    %swap3A_257 = arith.constant 9 : index
    %swap3A_258 = arith.constant 0 : index
    %swap3A_259 = vector.load %arg1[%swap3A_257, %swap3A_258] : memref<64x512xf32, #tpu.memory_space<vmem>>, vector<1x512xf32>
    tpu.vector_store %arg1[%swap3A_257, %swap3A_258], %mul3A_256 {strides = array<i32>} : memref<64x512xf32, #tpu.memory_space<vmem>>, vector<1x512xf32>,
    %get3A_260 = arith.constant 2 : index
    %get3A_261 = arith.constant 2 : index
    %get3A_262 = arith.constant 0 : index
    %get3A_263 = arith.constant 0 : index
    %get3A_264 = vector.load %arg2[%get3A_260, %get3A_261, %get3A_262, %get3A_263] : memref<4x4x512x512xf32, #tpu.memory_space<vmem>>, vector<1x1x512x512xf32>
    %get3A_265 = vector.shape_cast %get3A_264 : vector<1x1x512x512xf32> to vector<512x512xf32>
    %reduce_sum3A_266 = arith.constant dense<0.000000e+00> : vector<512xf32>
    %reduce_sum3A_267 = vector.multi_reduction <add>, %get3A_265, %reduce_sum3A_266 [0] : vector<512x512xf32> to vector<512xf32>
    %broadcast_in_dim3A_268 = vector.shape_cast %reduce_sum3A_267 : vector<512xf32> to vector<1x512xf32>
    %mul3A_269 = arith.constant 0.001953125 : f32
    %mul3A_270 = vector.broadcast %mul3A_269 : f32 to vector<1x512xf32>
    %mul3A_271 = arith.mulf %broadcast_in_dim3A_268, %mul3A_270 : vector<1x512xf32>
    %swap3A_272 = arith.constant 10 : index
    %swap3A_273 = arith.constant 0 : index
    %swap3A_274 = vector.load %arg1[%swap3A_272, %swap3A_273] : memref<64x512xf32, #tpu.memory_space<vmem>>, vector<1x512xf32>
    tpu.vector_store %arg1[%swap3A_272, %swap3A_273], %mul3A_271 {strides = array<i32>} : memref<64x512xf32, #tpu.memory_space<vmem>>, vector<1x512xf32>,
    %get3A_275 = arith.constant 2 : index
    %get3A_276 = arith.constant 3 : index
    %get3A_277 = arith.constant 0 : index
    %get3A_278 = arith.constant 0 : index
    %get3A_279 = vector.load %arg2[%get3A_275, %get3A_276, %get3A_277, %get3A_278] : memref<4x4x512x512xf32, #tpu.memory_space<vmem>>, vector<1x1x512x512xf32>
    %get3A_280 = vector.shape_cast %get3A_279 : vector<1x1x512x512xf32> to vector<512x512xf32>
    %reduce_sum3A_281 = arith.constant dense<0.000000e+00> : vector<512xf32>
    %reduce_sum3A_282 = vector.multi_reduction <add>, %get3A_280, %reduce_sum3A_281 [0] : vector<512x512xf32> to vector<512xf32>
    %broadcast_in_dim3A_283 = vector.shape_cast %reduce_sum3A_282 : vector<512xf32> to vector<1x512xf32>
    %mul3A_284 = arith.constant 0.001953125 : f32
    %mul3A_285 = vector.broadcast %mul3A_284 : f32 to vector<1x512xf32>
    %mul3A_286 = arith.mulf %broadcast_in_dim3A_283, %mul3A_285 : vector<1x512xf32>
    %swap3A_287 = arith.constant 11 : index
    %swap3A_288 = arith.constant 0 : index
    %swap3A_289 = vector.load %arg1[%swap3A_287, %swap3A_288] : memref<64x512xf32, #tpu.memory_space<vmem>>, vector<1x512xf32>
    tpu.vector_store %arg1[%swap3A_287, %swap3A_288], %mul3A_286 {strides = array<i32>} : memref<64x512xf32, #tpu.memory_space<vmem>>, vector<1x512xf32>,
    %dma_start3A_290 = arith.constant 2 : i32
    %dma_start3A_291 = arith.constant 2 : i32
    %dma_start3A_292 = tpu.memref_slice %arg3[%dma_start3A_291] : memref<4x!tpu.dma_semaphore, #tpu.memory_space<semaphore_mem>> -> memref<1x!tpu.dma_semaphore, #tpu.memory_space<semaphore_mem>>
    %dma_start3A_293 = tpu.memref_squeeze %dma_start3A_292 : memref<1x!tpu.dma_semaphore, #tpu.memory_space<semaphore_mem>> -> memref<!tpu.dma_semaphore, #tpu.memory_space<semaphore_mem>>
    %dma_start3A_294 = arith.constant 0 : i32
    %dma_start3A_295 = arith.constant 0 : i32
    %dma_start3A_296 = arith.constant 0 : i32
    %dma_start3A_297 = tpu.memref_slice %arg2[%dma_start3A_290, %dma_start3A_294, %dma_start3A_295, %dma_start3A_296] : memref<4x4x512x512xf32, #tpu.memory_space<vmem>> -> memref<1x4x512x512xf32, #tpu.memory_space<vmem>>
    %dma_start3A_298 = tpu.memref_squeeze %dma_start3A_297 : memref<1x4x512x512xf32, #tpu.memory_space<vmem>> -> memref<4x512x512xf32, #tpu.memory_space<vmem>>
    %dma_start3A_299 = arith.constant 24 : i32
    %dma_start3A_300 = arith.constant 0 : i32
    %dma_start3A_301 = arith.constant 0 : i32
    %dma_start3A_302 = tpu.memref_slice %arg0[%dma_start3A_299, %dma_start3A_300, %dma_start3A_301] : memref<64x512x512xf32, #tpu.memory_space<any>> -> memref<4x512x512xf32, #tpu.memory_space<any>>
    tpu.enqueue_dma source(%dma_start3A_302 : memref<4x512x512xf32, #tpu.memory_space<any>>) target(%dma_start3A_298 : memref<4x512x512xf32, #tpu.memory_space<vmem>>) target_semaphore(%dma_start3A_293 : memref<!tpu.dma_semaphore, #tpu.memory_space<semaphore_mem>>)
    %dma_wait3A_303 = arith.constant 3 : i32
    %dma_wait3A_304 = arith.constant 3 : i32
    %dma_wait3A_305 = tpu.memref_slice %arg3[%dma_wait3A_304] : memref<4x!tpu.dma_semaphore, #tpu.memory_space<semaphore_mem>> -> memref<1x!tpu.dma_semaphore, #tpu.memory_space<semaphore_mem>>
    %dma_wait3A_306 = tpu.memref_squeeze %dma_wait3A_305 : memref<1x!tpu.dma_semaphore, #tpu.memory_space<semaphore_mem>> -> memref<!tpu.dma_semaphore, #tpu.memory_space<semaphore_mem>>
    %dma_wait3A_307 = arith.constant 0 : i32
    %dma_wait3A_308 = arith.constant 0 : i32
    %dma_wait3A_309 = arith.constant 0 : i32
    %dma_wait3A_310 = tpu.memref_slice %arg2[%dma_wait3A_303, %dma_wait3A_307, %dma_wait3A_308, %dma_wait3A_309] : memref<4x4x512x512xf32, #tpu.memory_space<vmem>> -> memref<1x4x512x512xf32, #tpu.memory_space<vmem>>
    %dma_wait3A_311 = tpu.memref_squeeze %dma_wait3A_310 : memref<1x4x512x512xf32, #tpu.memory_space<vmem>> -> memref<4x512x512xf32, #tpu.memory_space<vmem>>
    %dma_wait3A_312 = arith.constant 12 : i32
    %dma_wait3A_313 = arith.constant 0 : i32
    %dma_wait3A_314 = arith.constant 0 : i32
    %dma_wait3A_315 = tpu.memref_slice %arg0[%dma_wait3A_312, %dma_wait3A_313, %dma_wait3A_314] : memref<64x512x512xf32, #tpu.memory_space<any>> -> memref<4x512x512xf32, #tpu.memory_space<any>>
    tpu.wait_dma2 semaphore(%dma_wait3A_306 : memref<!tpu.dma_semaphore, #tpu.memory_space<semaphore_mem>>) src(%dma_wait3A_315 : memref<4x512x512xf32, #tpu.memory_space<any>>) dst(%dma_wait3A_311 : memref<4x512x512xf32, #tpu.memory_space<vmem>>)
    %get3A_316 = arith.constant 3 : index
    %get3A_317 = arith.constant 0 : index
    %get3A_318 = arith.constant 0 : index
    %get3A_319 = arith.constant 0 : index
    %get3A_320 = vector.load %arg2[%get3A_316, %get3A_317, %get3A_318, %get3A_319] : memref<4x4x512x512xf32, #tpu.memory_space<vmem>>, vector<1x1x512x512xf32>
    %get3A_321 = vector.shape_cast %get3A_320 : vector<1x1x512x512xf32> to vector<512x512xf32>
    %reduce_sum3A_322 = arith.constant dense<0.000000e+00> : vector<512xf32>
    %reduce_sum3A_323 = vector.multi_reduction <add>, %get3A_321, %reduce_sum3A_322 [0] : vector<512x512xf32> to vector<512xf32>
    %broadcast_in_dim3A_324 = vector.shape_cast %reduce_sum3A_323 : vector<512xf32> to vector<1x512xf32>
    %mul3A_325 = arith.constant 0.001953125 : f32
    %mul3A_326 = vector.broadcast %mul3A_325 : f32 to vector<1x512xf32>
    %mul3A_327 = arith.mulf %broadcast_in_dim3A_324, %mul3A_326 : vector<1x512xf32>
    %swap3A_328 = arith.constant 12 : index
    %swap3A_329 = arith.constant 0 : index
    %swap3A_330 = vector.load %arg1[%swap3A_328, %swap3A_329] : memref<64x512xf32, #tpu.memory_space<vmem>>, vector<1x512xf32>
    tpu.vector_store %arg1[%swap3A_328, %swap3A_329], %mul3A_327 {strides = array<i32>} : memref<64x512xf32, #tpu.memory_space<vmem>>, vector<1x512xf32>,
    %get3A_331 = arith.constant 3 : index
    %get3A_332 = arith.constant 1 : index
    %get3A_333 = arith.constant 0 : index
    %get3A_334 = arith.constant 0 : index
    %get3A_335 = vector.load %arg2[%get3A_331, %get3A_332, %get3A_333, %get3A_334] : memref<4x4x512x512xf32, #tpu.memory_space<vmem>>, vector<1x1x512x512xf32>
    %get3A_336 = vector.shape_cast %get3A_335 : vector<1x1x512x512xf32> to vector<512x512xf32>
    %reduce_sum3A_337 = arith.constant dense<0.000000e+00> : vector<512xf32>
    %reduce_sum3A_338 = vector.multi_reduction <add>, %get3A_336, %reduce_sum3A_337 [0] : vector<512x512xf32> to vector<512xf32>
    %broadcast_in_dim3A_339 = vector.shape_cast %reduce_sum3A_338 : vector<512xf32> to vector<1x512xf32>
    %mul3A_340 = arith.constant 0.001953125 : f32
    %mul3A_341 = vector.broadcast %mul3A_340 : f32 to vector<1x512xf32>
    %mul3A_342 = arith.mulf %broadcast_in_dim3A_339, %mul3A_341 : vector<1x512xf32>
    %swap3A_343 = arith.constant 13 : index
    %swap3A_344 = arith.constant 0 : index
    %swap3A_345 = vector.load %arg1[%swap3A_343, %swap3A_344] : memref<64x512xf32, #tpu.memory_space<vmem>>, vector<1x512xf32>
    tpu.vector_store %arg1[%swap3A_343, %swap3A_344], %mul3A_342 {strides = array<i32>} : memref<64x512xf32, #tpu.memory_space<vmem>>, vector<1x512xf32>,
    %get3A_346 = arith.constant 3 : index
    %get3A_347 = arith.constant 2 : index
    %get3A_348 = arith.constant 0 : index
    %get3A_349 = arith.constant 0 : index
    %get3A_350 = vector.load %arg2[%get3A_346, %get3A_347, %get3A_348, %get3A_349] : memref<4x4x512x512xf32, #tpu.memory_space<vmem>>, vector<1x1x512x512xf32>
    %get3A_351 = vector.shape_cast %get3A_350 : vector<1x1x512x512xf32> to vector<512x512xf32>
    %reduce_sum3A_352 = arith.constant dense<0.000000e+00> : vector<512xf32>
    %reduce_sum3A_353 = vector.multi_reduction <add>, %get3A_351, %reduce_sum3A_352 [0] : vector<512x512xf32> to vector<512xf32>
    %broadcast_in_dim3A_354 = vector.shape_cast %reduce_sum3A_353 : vector<512xf32> to vector<1x512xf32>
    %mul3A_355 = arith.constant 0.001953125 : f32
    %mul3A_356 = vector.broadcast %mul3A_355 : f32 to vector<1x512xf32>
    %mul3A_357 = arith.mulf %broadcast_in_dim3A_354, %mul3A_356 : vector<1x512xf32>
    %swap3A_358 = arith.constant 14 : index
    %swap3A_359 = arith.constant 0 : index
    %swap3A_360 = vector.load %arg1[%swap3A_358, %swap3A_359] : memref<64x512xf32, #tpu.memory_space<vmem>>, vector<1x512xf32>
    tpu.vector_store %arg1[%swap3A_358, %swap3A_359], %mul3A_357 {strides = array<i32>} : memref<64x512xf32, #tpu.memory_space<vmem>>, vector<1x512xf32>,
    %get3A_361 = arith.constant 3 : index
    %get3A_362 = arith.constant 3 : index
    %get3A_363 = arith.constant 0 : index
    %get3A_364 = arith.constant 0 : index
    %get3A_365 = vector.load %arg2[%get3A_361, %get3A_362, %get3A_363, %get3A_364] : memref<4x4x512x512xf32, #tpu.memory_space<vmem>>, vector<1x1x512x512xf32>
    %get3A_366 = vector.shape_cast %get3A_365 : vector<1x1x512x512xf32> to vector<512x512xf32>
    %reduce_sum3A_367 = arith.constant dense<0.000000e+00> : vector<512xf32>
    %reduce_sum3A_368 = vector.multi_reduction <add>, %get3A_366, %reduce_sum3A_367 [0] : vector<512x512xf32> to vector<512xf32>
    %broadcast_in_dim3A_369 = vector.shape_cast %reduce_sum3A_368 : vector<512xf32> to vector<1x512xf32>
    %mul3A_370 = arith.constant 0.001953125 : f32
    %mul3A_371 = vector.broadcast %mul3A_370 : f32 to vector<1x512xf32>
    %mul3A_372 = arith.mulf %broadcast_in_dim3A_369, %mul3A_371 : vector<1x512xf32>
    %swap3A_373 = arith.constant 15 : index
    %swap3A_374 = arith.constant 0 : index
    %swap3A_375 = vector.load %arg1[%swap3A_373, %swap3A_374] : memref<64x512xf32, #tpu.memory_space<vmem>>, vector<1x512xf32>
    tpu.vector_store %arg1[%swap3A_373, %swap3A_374], %mul3A_372 {strides = array<i32>} : memref<64x512xf32, #tpu.memory_space<vmem>>, vector<1x512xf32>,
    %dma_start3A_376 = arith.constant 3 : i32
    %dma_start3A_377 = arith.constant 3 : i32
    %dma_start3A_378 = tpu.memref_slice %arg3[%dma_start3A_377] : memref<4x!tpu.dma_semaphore, #tpu.memory_space<semaphore_mem>> -> memref<1x!tpu.dma_semaphore, #tpu.memory_space<semaphore_mem>>
    %dma_start3A_379 = tpu.memref_squeeze %dma_start3A_378 : memref<1x!tpu.dma_semaphore, #tpu.memory_space<semaphore_mem>> -> memref<!tpu.dma_semaphore, #tpu.memory_space<semaphore_mem>>
    %dma_start3A_380 = arith.constant 0 : i32
    %dma_start3A_381 = arith.constant 0 : i32
    %dma_start3A_382 = arith.constant 0 : i32
    %dma_start3A_383 = tpu.memref_slice %arg2[%dma_start3A_376, %dma_start3A_380, %dma_start3A_381, %dma_start3A_382] : memref<4x4x512x512xf32, #tpu.memory_space<vmem>> -> memref<1x4x512x512xf32, #tpu.memory_space<vmem>>
    %dma_start3A_384 = tpu.memref_squeeze %dma_start3A_383 : memref<1x4x512x512xf32, #tpu.memory_space<vmem>> -> memref<4x512x512xf32, #tpu.memory_space<vmem>>
    %dma_start3A_385 = arith.constant 28 : i32
    %dma_start3A_386 = arith.constant 0 : i32
    %dma_start3A_387 = arith.constant 0 : i32
    %dma_start3A_388 = tpu.memref_slice %arg0[%dma_start3A_385, %dma_start3A_386, %dma_start3A_387] : memref<64x512x512xf32, #tpu.memory_space<any>> -> memref<4x512x512xf32, #tpu.memory_space<any>>
    tpu.enqueue_dma source(%dma_start3A_388 : memref<4x512x512xf32, #tpu.memory_space<any>>) target(%dma_start3A_384 : memref<4x512x512xf32, #tpu.memory_space<vmem>>) target_semaphore(%dma_start3A_379 : memref<!tpu.dma_semaphore, #tpu.memory_space<semaphore_mem>>)
    %dma_wait3A_389 = arith.constant 0 : i32
    %dma_wait3A_390 = arith.constant 0 : i32
    %dma_wait3A_391 = tpu.memref_slice %arg3[%dma_wait3A_390] : memref<4x!tpu.dma_semaphore, #tpu.memory_space<semaphore_mem>> -> memref<1x!tpu.dma_semaphore, #tpu.memory_space<semaphore_mem>>
    %dma_wait3A_392 = tpu.memref_squeeze %dma_wait3A_391 : memref<1x!tpu.dma_semaphore, #tpu.memory_space<semaphore_mem>> -> memref<!tpu.dma_semaphore, #tpu.memory_space<semaphore_mem>>
    %dma_wait3A_393 = arith.constant 0 : i32
    %dma_wait3A_394 = arith.constant 0 : i32
    %dma_wait3A_395 = arith.constant 0 : i32
    %dma_wait3A_396 = tpu.memref_slice %arg2[%dma_wait3A_389, %dma_wait3A_393, %dma_wait3A_394, %dma_wait3A_395] : memref<4x4x512x512xf32, #tpu.memory_space<vmem>> -> memref<1x4x512x512xf32, #tpu.memory_space<vmem>>
    %dma_wait3A_397 = tpu.memref_squeeze %dma_wait3A_396 : memref<1x4x512x512xf32, #tpu.memory_space<vmem>> -> memref<4x512x512xf32, #tpu.memory_space<vmem>>
    %dma_wait3A_398 = arith.constant 16 : i32
    %dma_wait3A_399 = arith.constant 0 : i32
    %dma_wait3A_400 = arith.constant 0 : i32
    %dma_wait3A_401 = tpu.memref_slice %arg0[%dma_wait3A_398, %dma_wait3A_399, %dma_wait3A_400] : memref<64x512x512xf32, #tpu.memory_space<any>> -> memref<4x512x512xf32, #tpu.memory_space<any>>
    tpu.wait_dma2 semaphore(%dma_wait3A_392 : memref<!tpu.dma_semaphore, #tpu.memory_space<semaphore_mem>>) src(%dma_wait3A_401 : memref<4x512x512xf32, #tpu.memory_space<any>>) dst(%dma_wait3A_397 : memref<4x512x512xf32, #tpu.memory_space<vmem>>)
    %get3A_402 = arith.constant 0 : index
    %get3A_403 = arith.constant 0 : index
    %get3A_404 = arith.constant 0 : index
    %get3A_405 = arith.constant 0 : index
    %get3A_406 = vector.load %arg2[%get3A_402, %get3A_403, %get3A_404, %get3A_405] : memref<4x4x512x512xf32, #tpu.memory_space<vmem>>, vector<1x1x512x512xf32>
    %get3A_407 = vector.shape_cast %get3A_406 : vector<1x1x512x512xf32> to vector<512x512xf32>
    %reduce_sum3A_408 = arith.constant dense<0.000000e+00> : vector<512xf32>
    %reduce_sum3A_409 = vector.multi_reduction <add>, %get3A_407, %reduce_sum3A_408 [0] : vector<512x512xf32> to vector<512xf32>
    %broadcast_in_dim3A_410 = vector.shape_cast %reduce_sum3A_409 : vector<512xf32> to vector<1x512xf32>
    %mul3A_411 = arith.constant 0.001953125 : f32
    %mul3A_412 = vector.broadcast %mul3A_411 : f32 to vector<1x512xf32>
    %mul3A_413 = arith.mulf %broadcast_in_dim3A_410, %mul3A_412 : vector<1x512xf32>
    %swap3A_414 = arith.constant 16 : index
    %swap3A_415 = arith.constant 0 : index
    %swap3A_416 = vector.load %arg1[%swap3A_414, %swap3A_415] : memref<64x512xf32, #tpu.memory_space<vmem>>, vector<1x512xf32>
    tpu.vector_store %arg1[%swap3A_414, %swap3A_415], %mul3A_413 {strides = array<i32>} : memref<64x512xf32, #tpu.memory_space<vmem>>, vector<1x512xf32>,
    %get3A_417 = arith.constant 0 : index
    %get3A_418 = arith.constant 1 : index
    %get3A_419 = arith.constant 0 : index
    %get3A_420 = arith.constant 0 : index
    %get3A_421 = vector.load %arg2[%get3A_417, %get3A_418, %get3A_419, %get3A_420] : memref<4x4x512x512xf32, #tpu.memory_space<vmem>>, vector<1x1x512x512xf32>
    %get3A_422 = vector.shape_cast %get3A_421 : vector<1x1x512x512xf32> to vector<512x512xf32>
    %reduce_sum3A_423 = arith.constant dense<0.000000e+00> : vector<512xf32>
    %reduce_sum3A_424 = vector.multi_reduction <add>, %get3A_422, %reduce_sum3A_423 [0] : vector<512x512xf32> to vector<512xf32>
    %broadcast_in_dim3A_425 = vector.shape_cast %reduce_sum3A_424 : vector<512xf32> to vector<1x512xf32>
    %mul3A_426 = arith.constant 0.001953125 : f32
    %mul3A_427 = vector.broadcast %mul3A_426 : f32 to vector<1x512xf32>
    %mul3A_428 = arith.mulf %broadcast_in_dim3A_425, %mul3A_427 : vector<1x512xf32>
    %swap3A_429 = arith.constant 17 : index
    %swap3A_430 = arith.constant 0 : index
    %swap3A_431 = vector.load %arg1[%swap3A_429, %swap3A_430] : memref<64x512xf32, #tpu.memory_space<vmem>>, vector<1x512xf32>
    tpu.vector_store %arg1[%swap3A_429, %swap3A_430], %mul3A_428 {strides = array<i32>} : memref<64x512xf32, #tpu.memory_space<vmem>>, vector<1x512xf32>,
    %get3A_432 = arith.constant 0 : index
    %get3A_433 = arith.constant 2 : index
    %get3A_434 = arith.constant 0 : index
    %get3A_435 = arith.constant 0 : index
    %get3A_436 = vector.load %arg2[%get3A_432, %get3A_433, %get3A_434, %get3A_435] : memref<4x4x512x512xf32, #tpu.memory_space<vmem>>, vector<1x1x512x512xf32>
    %get3A_437 = vector.shape_cast %get3A_436 : vector<1x1x512x512xf32> to vector<512x512xf32>
    %reduce_sum3A_438 = arith.constant dense<0.000000e+00> : vector<512xf32>
    %reduce_sum3A_439 = vector.multi_reduction <add>, %get3A_437, %reduce_sum3A_438 [0] : vector<512x512xf32> to vector<512xf32>
    %broadcast_in_dim3A_440 = vector.shape_cast %reduce_sum3A_439 : vector<512xf32> to vector<1x512xf32>
    %mul3A_441 = arith.constant 0.001953125 : f32
    %mul3A_442 = vector.broadcast %mul3A_441 : f32 to vector<1x512xf32>
    %mul3A_443 = arith.mulf %broadcast_in_dim3A_440, %mul3A_442 : vector<1x512xf32>
    %swap3A_444 = arith.constant 18 : index
    %swap3A_445 = arith.constant 0 : index
    %swap3A_446 = vector.load %arg1[%swap3A_444, %swap3A_445] : memref<64x512xf32, #tpu.memory_space<vmem>>, vector<1x512xf32>
    tpu.vector_store %arg1[%swap3A_444, %swap3A_445], %mul3A_443 {strides = array<i32>} : memref<64x512xf32, #tpu.memory_space<vmem>>, vector<1x512xf32>,
    %get3A_447 = arith.constant 0 : index
    %get3A_448 = arith.constant 3 : index
    %get3A_449 = arith.constant 0 : index
    %get3A_450 = arith.constant 0 : index
    %get3A_451 = vector.load %arg2[%get3A_447, %get3A_448, %get3A_449, %get3A_450] : memref<4x4x512x512xf32, #tpu.memory_space<vmem>>, vector<1x1x512x512xf32>
    %get3A_452 = vector.shape_cast %get3A_451 : vector<1x1x512x512xf32> to vector<512x512xf32>
    %reduce_sum3A_453 = arith.constant dense<0.000000e+00> : vector<512xf32>
    %reduce_sum3A_454 = vector.multi_reduction <add>, %get3A_452, %reduce_sum3A_453 [0] : vector<512x512xf32> to vector<512xf32>
    %broadcast_in_dim3A_455 = vector.shape_cast %reduce_sum3A_454 : vector<512xf32> to vector<1x512xf32>
    %mul3A_456 = arith.constant 0.001953125 : f32
    %mul3A_457 = vector.broadcast %mul3A_456 : f32 to vector<1x512xf32>
    %mul3A_458 = arith.mulf %broadcast_in_dim3A_455, %mul3A_457 : vector<1x512xf32>
    %swap3A_459 = arith.constant 19 : index
    %swap3A_460 = arith.constant 0 : index
    %swap3A_461 = vector.load %arg1[%swap3A_459, %swap3A_460] : memref<64x512xf32, #tpu.memory_space<vmem>>, vector<1x512xf32>
    tpu.vector_store %arg1[%swap3A_459, %swap3A_460], %mul3A_458 {strides = array<i32>} : memref<64x512xf32, #tpu.memory_space<vmem>>, vector<1x512xf32>,
    %dma_start3A_462 = arith.constant 0 : i32
    %dma_start3A_463 = arith.constant 0 : i32
    %dma_start3A_464 = tpu.memref_slice %arg3[%dma_start3A_463] : memref<4x!tpu.dma_semaphore, #tpu.memory_space<semaphore_mem>> -> memref<1x!tpu.dma_semaphore, #tpu.memory_space<semaphore_mem>>
    %dma_start3A_465 = tpu.memref_squeeze %dma_start3A_464 : memref<1x!tpu.dma_semaphore, #tpu.memory_space<semaphore_mem>> -> memref<!tpu.dma_semaphore, #tpu.memory_space<semaphore_mem>>
    %dma_start3A_466 = arith.constant 0 : i32
    %dma_start3A_467 = arith.constant 0 : i32
    %dma_start3A_468 = arith.constant 0 : i32
    %dma_start3A_469 = tpu.memref_slice %arg2[%dma_start3A_462, %dma_start3A_466, %dma_start3A_467, %dma_start3A_468] : memref<4x4x512x512xf32, #tpu.memory_space<vmem>> -> memref<1x4x512x512xf32, #tpu.memory_space<vmem>>
    %dma_start3A_470 = tpu.memref_squeeze %dma_start3A_469 : memref<1x4x512x512xf32, #tpu.memory_space<vmem>> -> memref<4x512x512xf32, #tpu.memory_space<vmem>>
    %dma_start3A_471 = arith.constant 32 : i32
    %dma_start3A_472 = arith.constant 0 : i32
    %dma_start3A_473 = arith.constant 0 : i32
    %dma_start3A_474 = tpu.memref_slice %arg0[%dma_start3A_471, %dma_start3A_472, %dma_start3A_473] : memref<64x512x512xf32, #tpu.memory_space<any>> -> memref<4x512x512xf32, #tpu.memory_space<any>>
    tpu.enqueue_dma source(%dma_start3A_474 : memref<4x512x512xf32, #tpu.memory_space<any>>) target(%dma_start3A_470 : memref<4x512x512xf32, #tpu.memory_space<vmem>>) target_semaphore(%dma_start3A_465 : memref<!tpu.dma_semaphore, #tpu.memory_space<semaphore_mem>>)
    %dma_wait3A_475 = arith.constant 1 : i32
    %dma_wait3A_476 = arith.constant 1 : i32
    %dma_wait3A_477 = tpu.memref_slice %arg3[%dma_wait3A_476] : memref<4x!tpu.dma_semaphore, #tpu.memory_space<semaphore_mem>> -> memref<1x!tpu.dma_semaphore, #tpu.memory_space<semaphore_mem>>
    %dma_wait3A_478 = tpu.memref_squeeze %dma_wait3A_477 : memref<1x!tpu.dma_semaphore, #tpu.memory_space<semaphore_mem>> -> memref<!tpu.dma_semaphore, #tpu.memory_space<semaphore_mem>>
    %dma_wait3A_479 = arith.constant 0 : i32
    %dma_wait3A_480 = arith.constant 0 : i32
    %dma_wait3A_481 = arith.constant 0 : i32
    %dma_wait3A_482 = tpu.memref_slice %arg2[%dma_wait3A_475, %dma_wait3A_479, %dma_wait3A_480, %dma_wait3A_481] : memref<4x4x512x512xf32, #tpu.memory_space<vmem>> -> memref<1x4x512x512xf32, #tpu.memory_space<vmem>>
    %dma_wait3A_483 = tpu.memref_squeeze %dma_wait3A_482 : memref<1x4x512x512xf32, #tpu.memory_space<vmem>> -> memref<4x512x512xf32, #tpu.memory_space<vmem>>
    %dma_wait3A_484 = arith.constant 20 : i32
    %dma_wait3A_485 = arith.constant 0 : i32
    %dma_wait3A_486 = arith.constant 0 : i32
    %dma_wait3A_487 = tpu.memref_slice %arg0[%dma_wait3A_484, %dma_wait3A_485, %dma_wait3A_486] : memref<64x512x512xf32, #tpu.memory_space<any>> -> memref<4x512x512xf32, #tpu.memory_space<any>>
    tpu.wait_dma2 semaphore(%dma_wait3A_478 : memref<!tpu.dma_semaphore, #tpu.memory_space<semaphore_mem>>) src(%dma_wait3A_487 : memref<4x512x512xf32, #tpu.memory_space<any>>) dst(%dma_wait3A_483 : memref<4x512x512xf32, #tpu.memory_space<vmem>>)
    %get3A_488 = arith.constant 1 : index
    %get3A_489 = arith.constant 0 : index
    %get3A_490 = arith.constant 0 : index
    %get3A_491 = arith.constant 0 : index
    %get3A_492 = vector.load %arg2[%get3A_488, %get3A_489, %get3A_490, %get3A_491] : memref<4x4x512x512xf32, #tpu.memory_space<vmem>>, vector<1x1x512x512xf32>
    %get3A_493 = vector.shape_cast %get3A_492 : vector<1x1x512x512xf32> to vector<512x512xf32>
    %reduce_sum3A_494 = arith.constant dense<0.000000e+00> : vector<512xf32>
    %reduce_sum3A_495 = vector.multi_reduction <add>, %get3A_493, %reduce_sum3A_494 [0] : vector<512x512xf32> to vector<512xf32>
    %broadcast_in_dim3A_496 = vector.shape_cast %reduce_sum3A_495 : vector<512xf32> to vector<1x512xf32>
    %mul3A_497 = arith.constant 0.001953125 : f32
    %mul3A_498 = vector.broadcast %mul3A_497 : f32 to vector<1x512xf32>
    %mul3A_499 = arith.mulf %broadcast_in_dim3A_496, %mul3A_498 : vector<1x512xf32>
    %swap3A_500 = arith.constant 20 : index
    %swap3A_501 = arith.constant 0 : index
    %swap3A_502 = vector.load %arg1[%swap3A_500, %swap3A_501] : memref<64x512xf32, #tpu.memory_space<vmem>>, vector<1x512xf32>
    tpu.vector_store %arg1[%swap3A_500, %swap3A_501], %mul3A_499 {strides = array<i32>} : memref<64x512xf32, #tpu.memory_space<vmem>>, vector<1x512xf32>,
    %get3A_503 = arith.constant 1 : index
    %get3A_504 = arith.constant 1 : index
    %get3A_505 = arith.constant 0 : index
    %get3A_506 = arith.constant 0 : index
    %get3A_507 = vector.load %arg2[%get3A_503, %get3A_504, %get3A_505, %get3A_506] : memref<4x4x512x512xf32, #tpu.memory_space<vmem>>, vector<1x1x512x512xf32>
    %get3A_508 = vector.shape_cast %get3A_507 : vector<1x1x512x512xf32> to vector<512x512xf32>
    %reduce_sum3A_509 = arith.constant dense<0.000000e+00> : vector<512xf32>
    %reduce_sum3A_510 = vector.multi_reduction <add>, %get3A_508, %reduce_sum3A_509 [0] : vector<512x512xf32> to vector<512xf32>
    %broadcast_in_dim3A_511 = vector.shape_cast %reduce_sum3A_510 : vector<512xf32> to vector<1x512xf32>
    %mul3A_512 = arith.constant 0.001953125 : f32
    %mul3A_513 = vector.broadcast %mul3A_512 : f32 to vector<1x512xf32>
    %mul3A_514 = arith.mulf %broadcast_in_dim3A_511, %mul3A_513 : vector<1x512xf32>
    %swap3A_515 = arith.constant 21 : index
    %swap3A_516 = arith.constant 0 : index
    %swap3A_517 = vector.load %arg1[%swap3A_515, %swap3A_516] : memref<64x512xf32, #tpu.memory_space<vmem>>, vector<1x512xf32>
    tpu.vector_store %arg1[%swap3A_515, %swap3A_516], %mul3A_514 {strides = array<i32>} : memref<64x512xf32, #tpu.memory_space<vmem>>, vector<1x512xf32>,
    %get3A_518 = arith.constant 1 : index
    %get3A_519 = arith.constant 2 : index
    %get3A_520 = arith.constant 0 : index
    %get3A_521 = arith.constant 0 : index
    %get3A_522 = vector.load %arg2[%get3A_518, %get3A_519, %get3A_520, %get3A_521] : memref<4x4x512x512xf32, #tpu.memory_space<vmem>>, vector<1x1x512x512xf32>
    %get3A_523 = vector.shape_cast %get3A_522 : vector<1x1x512x512xf32> to vector<512x512xf32>
    %reduce_sum3A_524 = arith.constant dense<0.000000e+00> : vector<512xf32>
    %reduce_sum3A_525 = vector.multi_reduction <add>, %get3A_523, %reduce_sum3A_524 [0] : vector<512x512xf32> to vector<512xf32>
    %broadcast_in_dim3A_526 = vector.shape_cast %reduce_sum3A_525 : vector<512xf32> to vector<1x512xf32>
    %mul3A_527 = arith.constant 0.001953125 : f32
    %mul3A_528 = vector.broadcast %mul3A_527 : f32 to vector<1x512xf32>
    %mul3A_529 = arith.mulf %broadcast_in_dim3A_526, %mul3A_528 : vector<1x512xf32>
    %swap3A_530 = arith.constant 22 : index
    %swap3A_531 = arith.constant 0 : index
    %swap3A_532 = vector.load %arg1[%swap3A_530, %swap3A_531] : memref<64x512xf32, #tpu.memory_space<vmem>>, vector<1x512xf32>
    tpu.vector_store %arg1[%swap3A_530, %swap3A_531], %mul3A_529 {strides = array<i32>} : memref<64x512xf32, #tpu.memory_space<vmem>>, vector<1x512xf32>,
    %get3A_533 = arith.constant 1 : index
    %get3A_534 = arith.constant 3 : index
    %get3A_535 = arith.constant 0 : index
    %get3A_536 = arith.constant 0 : index
    %get3A_537 = vector.load %arg2[%get3A_533, %get3A_534, %get3A_535, %get3A_536] : memref<4x4x512x512xf32, #tpu.memory_space<vmem>>, vector<1x1x512x512xf32>
    %get3A_538 = vector.shape_cast %get3A_537 : vector<1x1x512x512xf32> to vector<512x512xf32>
    %reduce_sum3A_539 = arith.constant dense<0.000000e+00> : vector<512xf32>
    %reduce_sum3A_540 = vector.multi_reduction <add>, %get3A_538, %reduce_sum3A_539 [0] : vector<512x512xf32> to vector<512xf32>
    %broadcast_in_dim3A_541 = vector.shape_cast %reduce_sum3A_540 : vector<512xf32> to vector<1x512xf32>
    %mul3A_542 = arith.constant 0.001953125 : f32
    %mul3A_543 = vector.broadcast %mul3A_542 : f32 to vector<1x512xf32>
    %mul3A_544 = arith.mulf %broadcast_in_dim3A_541, %mul3A_543 : vector<1x512xf32>
    %swap3A_545 = arith.constant 23 : index
    %swap3A_546 = arith.constant 0 : index
    %swap3A_547 = vector.load %arg1[%swap3A_545, %swap3A_546] : memref<64x512xf32, #tpu.memory_space<vmem>>, vector<1x512xf32>
    tpu.vector_store %arg1[%swap3A_545, %swap3A_546], %mul3A_544 {strides = array<i32>} : memref<64x512xf32, #tpu.memory_space<vmem>>, vector<1x512xf32>,
    %dma_start3A_548 = arith.constant 1 : i32
    %dma_start3A_549 = arith.constant 1 : i32
    %dma_start3A_550 = tpu.memref_slice %arg3[%dma_start3A_549] : memref<4x!tpu.dma_semaphore, #tpu.memory_space<semaphore_mem>> -> memref<1x!tpu.dma_semaphore, #tpu.memory_space<semaphore_mem>>
    %dma_start3A_551 = tpu.memref_squeeze %dma_start3A_550 : memref<1x!tpu.dma_semaphore, #tpu.memory_space<semaphore_mem>> -> memref<!tpu.dma_semaphore, #tpu.memory_space<semaphore_mem>>
    %dma_start3A_552 = arith.constant 0 : i32
    %dma_start3A_553 = arith.constant 0 : i32
    %dma_start3A_554 = arith.constant 0 : i32
    %dma_start3A_555 = tpu.memref_slice %arg2[%dma_start3A_548, %dma_start3A_552, %dma_start3A_553, %dma_start3A_554] : memref<4x4x512x512xf32, #tpu.memory_space<vmem>> -> memref<1x4x512x512xf32, #tpu.memory_space<vmem>>
    %dma_start3A_556 = tpu.memref_squeeze %dma_start3A_555 : memref<1x4x512x512xf32, #tpu.memory_space<vmem>> -> memref<4x512x512xf32, #tpu.memory_space<vmem>>
    %dma_start3A_557 = arith.constant 36 : i32
    %dma_start3A_558 = arith.constant 0 : i32
    %dma_start3A_559 = arith.constant 0 : i32
    %dma_start3A_560 = tpu.memref_slice %arg0[%dma_start3A_557, %dma_start3A_558, %dma_start3A_559] : memref<64x512x512xf32, #tpu.memory_space<any>> -> memref<4x512x512xf32, #tpu.memory_space<any>>
    tpu.enqueue_dma source(%dma_start3A_560 : memref<4x512x512xf32, #tpu.memory_space<any>>) target(%dma_start3A_556 : memref<4x512x512xf32, #tpu.memory_space<vmem>>) target_semaphore(%dma_start3A_551 : memref<!tpu.dma_semaphore, #tpu.memory_space<semaphore_mem>>)
    %dma_wait3A_561 = arith.constant 2 : i32
    %dma_wait3A_562 = arith.constant 2 : i32
    %dma_wait3A_563 = tpu.memref_slice %arg3[%dma_wait3A_562] : memref<4x!tpu.dma_semaphore, #tpu.memory_space<semaphore_mem>> -> memref<1x!tpu.dma_semaphore, #tpu.memory_space<semaphore_mem>>
    %dma_wait3A_564 = tpu.memref_squeeze %dma_wait3A_563 : memref<1x!tpu.dma_semaphore, #tpu.memory_space<semaphore_mem>> -> memref<!tpu.dma_semaphore, #tpu.memory_space<semaphore_mem>>
    %dma_wait3A_565 = arith.constant 0 : i32
    %dma_wait3A_566 = arith.constant 0 : i32
    %dma_wait3A_567 = arith.constant 0 : i32
    %dma_wait3A_568 = tpu.memref_slice %arg2[%dma_wait3A_561, %dma_wait3A_565, %dma_wait3A_566, %dma_wait3A_567] : memref<4x4x512x512xf32, #tpu.memory_space<vmem>> -> memref<1x4x512x512xf32, #tpu.memory_space<vmem>>
    %dma_wait3A_569 = tpu.memref_squeeze %dma_wait3A_568 : memref<1x4x512x512xf32, #tpu.memory_space<vmem>> -> memref<4x512x512xf32, #tpu.memory_space<vmem>>
    %dma_wait3A_570 = arith.constant 24 : i32
    %dma_wait3A_571 = arith.constant 0 : i32
    %dma_wait3A_572 = arith.constant 0 : i32
    %dma_wait3A_573 = tpu.memref_slice %arg0[%dma_wait3A_570, %dma_wait3A_571, %dma_wait3A_572] : memref<64x512x512xf32, #tpu.memory_space<any>> -> memref<4x512x512xf32, #tpu.memory_space<any>>
    tpu.wait_dma2 semaphore(%dma_wait3A_564 : memref<!tpu.dma_semaphore, #tpu.memory_space<semaphore_mem>>) src(%dma_wait3A_573 : memref<4x512x512xf32, #tpu.memory_space<any>>) dst(%dma_wait3A_569 : memref<4x512x512xf32, #tpu.memory_space<vmem>>)
    %get3A_574 = arith.constant 2 : index
    %get3A_575 = arith.constant 0 : index
    %get3A_576 = arith.constant 0 : index
    %get3A_577 = arith.constant 0 : index
    %get3A_578 = vector.load %arg2[%get3A_574, %get3A_575, %get3A_576, %get3A_577] : memref<4x4x512x512xf32, #tpu.memory_space<vmem>>, vector<1x1x512x512xf32>
    %get3A_579 = vector.shape_cast %get3A_578 : vector<1x1x512x512xf32> to vector<512x512xf32>
    %reduce_sum3A_580 = arith.constant dense<0.000000e+00> : vector<512xf32>
    %reduce_sum3A_581 = vector.multi_reduction <add>, %get3A_579, %reduce_sum3A_580 [0] : vector<512x512xf32> to vector<512xf32>
    %broadcast_in_dim3A_582 = vector.shape_cast %reduce_sum3A_581 : vector<512xf32> to vector<1x512xf32>
    %mul3A_583 = arith.constant 0.001953125 : f32
    %mul3A_584 = vector.broadcast %mul3A_583 : f32 to vector<1x512xf32>
    %mul3A_585 = arith.mulf %broadcast_in_dim3A_582, %mul3A_584 : vector<1x512xf32>
    %swap3A_586 = arith.constant 24 : index
    %swap3A_587 = arith.constant 0 : index
    %swap3A_588 = vector.load %arg1[%swap3A_586, %swap3A_587] : memref<64x512xf32, #tpu.memory_space<vmem>>, vector<1x512xf32>
    tpu.vector_store %arg1[%swap3A_586, %swap3A_587], %mul3A_585 {strides = array<i32>} : memref<64x512xf32, #tpu.memory_space<vmem>>, vector<1x512xf32>,
    %get3A_589 = arith.constant 2 : index
    %get3A_590 = arith.constant 1 : index
    %get3A_591 = arith.constant 0 : index
    %get3A_592 = arith.constant 0 : index
    %get3A_593 = vector.load %arg2[%get3A_589, %get3A_590, %get3A_591, %get3A_592] : memref<4x4x512x512xf32, #tpu.memory_space<vmem>>, vector<1x1x512x512xf32>
    %get3A_594 = vector.shape_cast %get3A_593 : vector<1x1x512x512xf32> to vector<512x512xf32>
    %reduce_sum3A_595 = arith.constant dense<0.000000e+00> : vector<512xf32>
    %reduce_sum3A_596 = vector.multi_reduction <add>, %get3A_594, %reduce_sum3A_595 [0] : vector<512x512xf32> to vector<512xf32>
    %broadcast_in_dim3A_597 = vector.shape_cast %reduce_sum3A_596 : vector<512xf32> to vector<1x512xf32>
    %mul3A_598 = arith.constant 0.001953125 : f32
    %mul3A_599 = vector.broadcast %mul3A_598 : f32 to vector<1x512xf32>
    %mul3A_600 = arith.mulf %broadcast_in_dim3A_597, %mul3A_599 : vector<1x512xf32>
    %swap3A_601 = arith.constant 25 : index
    %swap3A_602 = arith.constant 0 : index
    %swap3A_603 = vector.load %arg1[%swap3A_601, %swap3A_602] : memref<64x512xf32, #tpu.memory_space<vmem>>, vector<1x512xf32>
    tpu.vector_store %arg1[%swap3A_601, %swap3A_602], %mul3A_600 {strides = array<i32>} : memref<64x512xf32, #tpu.memory_space<vmem>>, vector<1x512xf32>,
    %get3A_604 = arith.constant 2 : index
    %get3A_605 = arith.constant 2 : index
    %get3A_606 = arith.constant 0 : index
    %get3A_607 = arith.constant 0 : index
    %get3A_608 = vector.load %arg2[%get3A_604, %get3A_605, %get3A_606, %get3A_607] : memref<4x4x512x512xf32, #tpu.memory_space<vmem>>, vector<1x1x512x512xf32>
    %get3A_609 = vector.shape_cast %get3A_608 : vector<1x1x512x512xf32> to vector<512x512xf32>
    %reduce_sum3A_610 = arith.constant dense<0.000000e+00> : vector<512xf32>
    %reduce_sum3A_611 = vector.multi_reduction <add>, %get3A_609, %reduce_sum3A_610 [0] : vector<512x512xf32> to vector<512xf32>
    %broadcast_in_dim3A_612 = vector.shape_cast %reduce_sum3A_611 : vector<512xf32> to vector<1x512xf32>
    %mul3A_613 = arith.constant 0.001953125 : f32
    %mul3A_614 = vector.broadcast %mul3A_613 : f32 to vector<1x512xf32>
    %mul3A_615 = arith.mulf %broadcast_in_dim3A_612, %mul3A_614 : vector<1x512xf32>
    %swap3A_616 = arith.constant 26 : index
    %swap3A_617 = arith.constant 0 : index
    %swap3A_618 = vector.load %arg1[%swap3A_616, %swap3A_617] : memref<64x512xf32, #tpu.memory_space<vmem>>, vector<1x512xf32>
    tpu.vector_store %arg1[%swap3A_616, %swap3A_617], %mul3A_615 {strides = array<i32>} : memref<64x512xf32, #tpu.memory_space<vmem>>, vector<1x512xf32>,
    %get3A_619 = arith.constant 2 : index
    %get3A_620 = arith.constant 3 : index
    %get3A_621 = arith.constant 0 : index
    %get3A_622 = arith.constant 0 : index
    %get3A_623 = vector.load %arg2[%get3A_619, %get3A_620, %get3A_621, %get3A_622] : memref<4x4x512x512xf32, #tpu.memory_space<vmem>>, vector<1x1x512x512xf32>
    %get3A_624 = vector.shape_cast %get3A_623 : vector<1x1x512x512xf32> to vector<512x512xf32>
    %reduce_sum3A_625 = arith.constant dense<0.000000e+00> : vector<512xf32>
    %reduce_sum3A_626 = vector.multi_reduction <add>, %get3A_624, %reduce_sum3A_625 [0] : vector<512x512xf32> to vector<512xf32>
    %broadcast_in_dim3A_627 = vector.shape_cast %reduce_sum3A_626 : vector<512xf32> to vector<1x512xf32>
    %mul3A_628 = arith.constant 0.001953125 : f32
    %mul3A_629 = vector.broadcast %mul3A_628 : f32 to vector<1x512xf32>
    %mul3A_630 = arith.mulf %broadcast_in_dim3A_627, %mul3A_629 : vector<1x512xf32>
    %swap3A_631 = arith.constant 27 : index
    %swap3A_632 = arith.constant 0 : index
    %swap3A_633 = vector.load %arg1[%swap3A_631, %swap3A_632] : memref<64x512xf32, #tpu.memory_space<vmem>>, vector<1x512xf32>
    tpu.vector_store %arg1[%swap3A_631, %swap3A_632], %mul3A_630 {strides = array<i32>} : memref<64x512xf32, #tpu.memory_space<vmem>>, vector<1x512xf32>,
    %dma_start3A_634 = arith.constant 2 : i32
    %dma_start3A_635 = arith.constant 2 : i32
    %dma_start3A_636 = tpu.memref_slice %arg3[%dma_start3A_635] : memref<4x!tpu.dma_semaphore, #tpu.memory_space<semaphore_mem>> -> memref<1x!tpu.dma_semaphore, #tpu.memory_space<semaphore_mem>>
    %dma_start3A_637 = tpu.memref_squeeze %dma_start3A_636 : memref<1x!tpu.dma_semaphore, #tpu.memory_space<semaphore_mem>> -> memref<!tpu.dma_semaphore, #tpu.memory_space<semaphore_mem>>
    %dma_start3A_638 = arith.constant 0 : i32
    %dma_start3A_639 = arith.constant 0 : i32
    %dma_start3A_640 = arith.constant 0 : i32
    %dma_start3A_641 = tpu.memref_slice %arg2[%dma_start3A_634, %dma_start3A_638, %dma_start3A_639, %dma_start3A_640] : memref<4x4x512x512xf32, #tpu.memory_space<vmem>> -> memref<1x4x512x512xf32, #tpu.memory_space<vmem>>
    %dma_start3A_642 = tpu.memref_squeeze %dma_start3A_641 : memref<1x4x512x512xf32, #tpu.memory_space<vmem>> -> memref<4x512x512xf32, #tpu.memory_space<vmem>>
    %dma_start3A_643 = arith.constant 40 : i32
    %dma_start3A_644 = arith.constant 0 : i32
    %dma_start3A_645 = arith.constant 0 : i32
    %dma_start3A_646 = tpu.memref_slice %arg0[%dma_start3A_643, %dma_start3A_644, %dma_start3A_645] : memref<64x512x512xf32, #tpu.memory_space<any>> -> memref<4x512x512xf32, #tpu.memory_space<any>>
    tpu.enqueue_dma source(%dma_start3A_646 : memref<4x512x512xf32, #tpu.memory_space<any>>) target(%dma_start3A_642 : memref<4x512x512xf32, #tpu.memory_space<vmem>>) target_semaphore(%dma_start3A_637 : memref<!tpu.dma_semaphore, #tpu.memory_space<semaphore_mem>>)
    %dma_wait3A_647 = arith.constant 3 : i32
    %dma_wait3A_648 = arith.constant 3 : i32
    %dma_wait3A_649 = tpu.memref_slice %arg3[%dma_wait3A_648] : memref<4x!tpu.dma_semaphore, #tpu.memory_space<semaphore_mem>> -> memref<1x!tpu.dma_semaphore, #tpu.memory_space<semaphore_mem>>
    %dma_wait3A_650 = tpu.memref_squeeze %dma_wait3A_649 : memref<1x!tpu.dma_semaphore, #tpu.memory_space<semaphore_mem>> -> memref<!tpu.dma_semaphore, #tpu.memory_space<semaphore_mem>>
    %dma_wait3A_651 = arith.constant 0 : i32
    %dma_wait3A_652 = arith.constant 0 : i32
    %dma_wait3A_653 = arith.constant 0 : i32
    %dma_wait3A_654 = tpu.memref_slice %arg2[%dma_wait3A_647, %dma_wait3A_651, %dma_wait3A_652, %dma_wait3A_653] : memref<4x4x512x512xf32, #tpu.memory_space<vmem>> -> memref<1x4x512x512xf32, #tpu.memory_space<vmem>>
    %dma_wait3A_655 = tpu.memref_squeeze %dma_wait3A_654 : memref<1x4x512x512xf32, #tpu.memory_space<vmem>> -> memref<4x512x512xf32, #tpu.memory_space<vmem>>
    %dma_wait3A_656 = arith.constant 28 : i32
    %dma_wait3A_657 = arith.constant 0 : i32
    %dma_wait3A_658 = arith.constant 0 : i32
    %dma_wait3A_659 = tpu.memref_slice %arg0[%dma_wait3A_656, %dma_wait3A_657, %dma_wait3A_658] : memref<64x512x512xf32, #tpu.memory_space<any>> -> memref<4x512x512xf32, #tpu.memory_space<any>>
    tpu.wait_dma2 semaphore(%dma_wait3A_650 : memref<!tpu.dma_semaphore, #tpu.memory_space<semaphore_mem>>) src(%dma_wait3A_659 : memref<4x512x512xf32, #tpu.memory_space<any>>) dst(%dma_wait3A_655 : memref<4x512x512xf32, #tpu.memory_space<vmem>>)
    %get3A_660 = arith.constant 3 : index
    %get3A_661 = arith.constant 0 : index
    %get3A_662 = arith.constant 0 : index
    %get3A_663 = arith.constant 0 : index
    %get3A_664 = vector.load %arg2[%get3A_660, %get3A_661, %get3A_662, %get3A_663] : memref<4x4x512x512xf32, #tpu.memory_space<vmem>>, vector<1x1x512x512xf32>
    %get3A_665 = vector.shape_cast %get3A_664 : vector<1x1x512x512xf32> to vector<512x512xf32>
    %reduce_sum3A_666 = arith.constant dense<0.000000e+00> : vector<512xf32>
    %reduce_sum3A_667 = vector.multi_reduction <add>, %get3A_665, %reduce_sum3A_666 [0] : vector<512x512xf32> to vector<512xf32>
    %broadcast_in_dim3A_668 = vector.shape_cast %reduce_sum3A_667 : vector<512xf32> to vector<1x512xf32>
    %mul3A_669 = arith.constant 0.001953125 : f32
    %mul3A_670 = vector.broadcast %mul3A_669 : f32 to vector<1x512xf32>
    %mul3A_671 = arith.mulf %broadcast_in_dim3A_668, %mul3A_670 : vector<1x512xf32>
    %swap3A_672 = arith.constant 28 : index
    %swap3A_673 = arith.constant 0 : index
    %swap3A_674 = vector.load %arg1[%swap3A_672, %swap3A_673] : memref<64x512xf32, #tpu.memory_space<vmem>>, vector<1x512xf32>
    tpu.vector_store %arg1[%swap3A_672, %swap3A_673], %mul3A_671 {strides = array<i32>} : memref<64x512xf32, #tpu.memory_space<vmem>>, vector<1x512xf32>,
    %get3A_675 = arith.constant 3 : index
    %get3A_676 = arith.constant 1 : index
    %get3A_677 = arith.constant 0 : index
    %get3A_678 = arith.constant 0 : index
    %get3A_679 = vector.load %arg2[%get3A_675, %get3A_676, %get3A_677, %get3A_678] : memref<4x4x512x512xf32, #tpu.memory_space<vmem>>, vector<1x1x512x512xf32>
    %get3A_680 = vector.shape_cast %get3A_679 : vector<1x1x512x512xf32> to vector<512x512xf32>
    %reduce_sum3A_681 = arith.constant dense<0.000000e+00> : vector<512xf32>
    %reduce_sum3A_682 = vector.multi_reduction <add>, %get3A_680, %reduce_sum3A_681 [0] : vector<512x512xf32> to vector<512xf32>
    %broadcast_in_dim3A_683 = vector.shape_cast %reduce_sum3A_682 : vector<512xf32> to vector<1x512xf32>
    %mul3A_684 = arith.constant 0.001953125 : f32
    %mul3A_685 = vector.broadcast %mul3A_684 : f32 to vector<1x512xf32>
    %mul3A_686 = arith.mulf %broadcast_in_dim3A_683, %mul3A_685 : vector<1x512xf32>
    %swap3A_687 = arith.constant 29 : index
    %swap3A_688 = arith.constant 0 : index
    %swap3A_689 = vector.load %arg1[%swap3A_687, %swap3A_688] : memref<64x512xf32, #tpu.memory_space<vmem>>, vector<1x512xf32>
    tpu.vector_store %arg1[%swap3A_687, %swap3A_688], %mul3A_686 {strides = array<i32>} : memref<64x512xf32, #tpu.memory_space<vmem>>, vector<1x512xf32>,
    %get3A_690 = arith.constant 3 : index
    %get3A_691 = arith.constant 2 : index
    %get3A_692 = arith.constant 0 : index
    %get3A_693 = arith.constant 0 : index
    %get3A_694 = vector.load %arg2[%get3A_690, %get3A_691, %get3A_692, %get3A_693] : memref<4x4x512x512xf32, #tpu.memory_space<vmem>>, vector<1x1x512x512xf32>
    %get3A_695 = vector.shape_cast %get3A_694 : vector<1x1x512x512xf32> to vector<512x512xf32>
    %reduce_sum3A_696 = arith.constant dense<0.000000e+00> : vector<512xf32>
    %reduce_sum3A_697 = vector.multi_reduction <add>, %get3A_695, %reduce_sum3A_696 [0] : vector<512x512xf32> to vector<512xf32>
    %broadcast_in_dim3A_698 = vector.shape_cast %reduce_sum3A_697 : vector<512xf32> to vector<1x512xf32>
    %mul3A_699 = arith.constant 0.001953125 : f32
    %mul3A_700 = vector.broadcast %mul3A_699 : f32 to vector<1x512xf32>
    %mul3A_701 = arith.mulf %broadcast_in_dim3A_698, %mul3A_700 : vector<1x512xf32>
    %swap3A_702 = arith.constant 30 : index
    %swap3A_703 = arith.constant 0 : index
    %swap3A_704 = vector.load %arg1[%swap3A_702, %swap3A_703] : memref<64x512xf32, #tpu.memory_space<vmem>>, vector<1x512xf32>
    tpu.vector_store %arg1[%swap3A_702, %swap3A_703], %mul3A_701 {strides = array<i32>} : memref<64x512xf32, #tpu.memory_space<vmem>>, vector<1x512xf32>,
    %get3A_705 = arith.constant 3 : index
    %get3A_706 = arith.constant 3 : index
    %get3A_707 = arith.constant 0 : index
    %get3A_708 = arith.constant 0 : index
    %get3A_709 = vector.load %arg2[%get3A_705, %get3A_706, %get3A_707, %get3A_708] : memref<4x4x512x512xf32, #tpu.memory_space<vmem>>, vector<1x1x512x512xf32>
    %get3A_710 = vector.shape_cast %get3A_709 : vector<1x1x512x512xf32> to vector<512x512xf32>
    %reduce_sum3A_711 = arith.constant dense<0.000000e+00> : vector<512xf32>
    %reduce_sum3A_712 = vector.multi_reduction <add>, %get3A_710, %reduce_sum3A_711 [0] : vector<512x512xf32> to vector<512xf32>
    %broadcast_in_dim3A_713 = vector.shape_cast %reduce_sum3A_712 : vector<512xf32> to vector<1x512xf32>
    %mul3A_714 = arith.constant 0.001953125 : f32
    %mul3A_715 = vector.broadcast %mul3A_714 : f32 to vector<1x512xf32>
    %mul3A_716 = arith.mulf %broadcast_in_dim3A_713, %mul3A_715 : vector<1x512xf32>
    %swap3A_717 = arith.constant 31 : index
    %swap3A_718 = arith.constant 0 : index
    %swap3A_719 = vector.load %arg1[%swap3A_717, %swap3A_718] : memref<64x512xf32, #tpu.memory_space<vmem>>, vector<1x512xf32>
    tpu.vector_store %arg1[%swap3A_717, %swap3A_718], %mul3A_716 {strides = array<i32>} : memref<64x512xf32, #tpu.memory_space<vmem>>, vector<1x512xf32>,
    %dma_start3A_720 = arith.constant 3 : i32
    %dma_start3A_721 = arith.constant 3 : i32
    %dma_start3A_722 = tpu.memref_slice %arg3[%dma_start3A_721] : memref<4x!tpu.dma_semaphore, #tpu.memory_space<semaphore_mem>> -> memref<1x!tpu.dma_semaphore, #tpu.memory_space<semaphore_mem>>
    %dma_start3A_723 = tpu.memref_squeeze %dma_start3A_722 : memref<1x!tpu.dma_semaphore, #tpu.memory_space<semaphore_mem>> -> memref<!tpu.dma_semaphore, #tpu.memory_space<semaphore_mem>>
    %dma_start3A_724 = arith.constant 0 : i32
    %dma_start3A_725 = arith.constant 0 : i32
    %dma_start3A_726 = arith.constant 0 : i32
    %dma_start3A_727 = tpu.memref_slice %arg2[%dma_start3A_720, %dma_start3A_724, %dma_start3A_725, %dma_start3A_726] : memref<4x4x512x512xf32, #tpu.memory_space<vmem>> -> memref<1x4x512x512xf32, #tpu.memory_space<vmem>>
    %dma_start3A_728 = tpu.memref_squeeze %dma_start3A_727 : memref<1x4x512x512xf32, #tpu.memory_space<vmem>> -> memref<4x512x512xf32, #tpu.memory_space<vmem>>
    %dma_start3A_729 = arith.constant 44 : i32
    %dma_start3A_730 = arith.constant 0 : i32
    %dma_start3A_731 = arith.constant 0 : i32
    %dma_start3A_732 = tpu.memref_slice %arg0[%dma_start3A_729, %dma_start3A_730, %dma_start3A_731] : memref<64x512x512xf32, #tpu.memory_space<any>> -> memref<4x512x512xf32, #tpu.memory_space<any>>
    tpu.enqueue_dma source(%dma_start3A_732 : memref<4x512x512xf32, #tpu.memory_space<any>>) target(%dma_start3A_728 : memref<4x512x512xf32, #tpu.memory_space<vmem>>) target_semaphore(%dma_start3A_723 : memref<!tpu.dma_semaphore, #tpu.memory_space<semaphore_mem>>)
    %dma_wait3A_733 = arith.constant 0 : i32
    %dma_wait3A_734 = arith.constant 0 : i32
    %dma_wait3A_735 = tpu.memref_slice %arg3[%dma_wait3A_734] : memref<4x!tpu.dma_semaphore, #tpu.memory_space<semaphore_mem>> -> memref<1x!tpu.dma_semaphore, #tpu.memory_space<semaphore_mem>>
    %dma_wait3A_736 = tpu.memref_squeeze %dma_wait3A_735 : memref<1x!tpu.dma_semaphore, #tpu.memory_space<semaphore_mem>> -> memref<!tpu.dma_semaphore, #tpu.memory_space<semaphore_mem>>
    %dma_wait3A_737 = arith.constant 0 : i32
    %dma_wait3A_738 = arith.constant 0 : i32
    %dma_wait3A_739 = arith.constant 0 : i32
    %dma_wait3A_740 = tpu.memref_slice %arg2[%dma_wait3A_733, %dma_wait3A_737, %dma_wait3A_738, %dma_wait3A_739] : memref<4x4x512x512xf32, #tpu.memory_space<vmem>> -> memref<1x4x512x512xf32, #tpu.memory_space<vmem>>
    %dma_wait3A_741 = tpu.memref_squeeze %dma_wait3A_740 : memref<1x4x512x512xf32, #tpu.memory_space<vmem>> -> memref<4x512x512xf32, #tpu.memory_space<vmem>>
    %dma_wait3A_742 = arith.constant 32 : i32
    %dma_wait3A_743 = arith.constant 0 : i32
    %dma_wait3A_744 = arith.constant 0 : i32
    %dma_wait3A_745 = tpu.memref_slice %arg0[%dma_wait3A_742, %dma_wait3A_743, %dma_wait3A_744] : memref<64x512x512xf32, #tpu.memory_space<any>> -> memref<4x512x512xf32, #tpu.memory_space<any>>
    tpu.wait_dma2 semaphore(%dma_wait3A_736 : memref<!tpu.dma_semaphore, #tpu.memory_space<semaphore_mem>>) src(%dma_wait3A_745 : memref<4x512x512xf32, #tpu.memory_space<any>>) dst(%dma_wait3A_741 : memref<4x512x512xf32, #tpu.memory_space<vmem>>)
    %get3A_746 = arith.constant 0 : index
    %get3A_747 = arith.constant 0 : index
    %get3A_748 = arith.constant 0 : index
    %get3A_749 = arith.constant 0 : index
    %get3A_750 = vector.load %arg2[%get3A_746, %get3A_747, %get3A_748, %get3A_749] : memref<4x4x512x512xf32, #tpu.memory_space<vmem>>, vector<1x1x512x512xf32>
    %get3A_751 = vector.shape_cast %get3A_750 : vector<1x1x512x512xf32> to vector<512x512xf32>
    %reduce_sum3A_752 = arith.constant dense<0.000000e+00> : vector<512xf32>
    %reduce_sum3A_753 = vector.multi_reduction <add>, %get3A_751, %reduce_sum3A_752 [0] : vector<512x512xf32> to vector<512xf32>
    %broadcast_in_dim3A_754 = vector.shape_cast %reduce_sum3A_753 : vector<512xf32> to vector<1x512xf32>
    %mul3A_755 = arith.constant 0.001953125 : f32
    %mul3A_756 = vector.broadcast %mul3A_755 : f32 to vector<1x512xf32>
    %mul3A_757 = arith.mulf %broadcast_in_dim3A_754, %mul3A_756 : vector<1x512xf32>
    %swap3A_758 = arith.constant 32 : index
    %swap3A_759 = arith.constant 0 : index
    %swap3A_760 = vector.load %arg1[%swap3A_758, %swap3A_759] : memref<64x512xf32, #tpu.memory_space<vmem>>, vector<1x512xf32>
    tpu.vector_store %arg1[%swap3A_758, %swap3A_759], %mul3A_757 {strides = array<i32>} : memref<64x512xf32, #tpu.memory_space<vmem>>, vector<1x512xf32>,
    %get3A_761 = arith.constant 0 : index
    %get3A_762 = arith.constant 1 : index
    %get3A_763 = arith.constant 0 : index
    %get3A_764 = arith.constant 0 : index
    %get3A_765 = vector.load %arg2[%get3A_761, %get3A_762, %get3A_763, %get3A_764] : memref<4x4x512x512xf32, #tpu.memory_space<vmem>>, vector<1x1x512x512xf32>
    %get3A_766 = vector.shape_cast %get3A_765 : vector<1x1x512x512xf32> to vector<512x512xf32>
    %reduce_sum3A_767 = arith.constant dense<0.000000e+00> : vector<512xf32>
    %reduce_sum3A_768 = vector.multi_reduction <add>, %get3A_766, %reduce_sum3A_767 [0] : vector<512x512xf32> to vector<512xf32>
    %broadcast_in_dim3A_769 = vector.shape_cast %reduce_sum3A_768 : vector<512xf32> to vector<1x512xf32>
    %mul3A_770 = arith.constant 0.001953125 : f32
    %mul3A_771 = vector.broadcast %mul3A_770 : f32 to vector<1x512xf32>
    %mul3A_772 = arith.mulf %broadcast_in_dim3A_769, %mul3A_771 : vector<1x512xf32>
    %swap3A_773 = arith.constant 33 : index
    %swap3A_774 = arith.constant 0 : index
    %swap3A_775 = vector.load %arg1[%swap3A_773, %swap3A_774] : memref<64x512xf32, #tpu.memory_space<vmem>>, vector<1x512xf32>
    tpu.vector_store %arg1[%swap3A_773, %swap3A_774], %mul3A_772 {strides = array<i32>} : memref<64x512xf32, #tpu.memory_space<vmem>>, vector<1x512xf32>,
    %get3A_776 = arith.constant 0 : index
    %get3A_777 = arith.constant 2 : index
    %get3A_778 = arith.constant 0 : index
    %get3A_779 = arith.constant 0 : index
    %get3A_780 = vector.load %arg2[%get3A_776, %get3A_777, %get3A_778, %get3A_779] : memref<4x4x512x512xf32, #tpu.memory_space<vmem>>, vector<1x1x512x512xf32>
    %get3A_781 = vector.shape_cast %get3A_780 : vector<1x1x512x512xf32> to vector<512x512xf32>
    %reduce_sum3A_782 = arith.constant dense<0.000000e+00> : vector<512xf32>
    %reduce_sum3A_783 = vector.multi_reduction <add>, %get3A_781, %reduce_sum3A_782 [0] : vector<512x512xf32> to vector<512xf32>
    %broadcast_in_dim3A_784 = vector.shape_cast %reduce_sum3A_783 : vector<512xf32> to vector<1x512xf32>
    %mul3A_785 = arith.constant 0.001953125 : f32
    %mul3A_786 = vector.broadcast %mul3A_785 : f32 to vector<1x512xf32>
    %mul3A_787 = arith.mulf %broadcast_in_dim3A_784, %mul3A_786 : vector<1x512xf32>
    %swap3A_788 = arith.constant 34 : index
    %swap3A_789 = arith.constant 0 : index
    %swap3A_790 = vector.load %arg1[%swap3A_788, %swap3A_789] : memref<64x512xf32, #tpu.memory_space<vmem>>, vector<1x512xf32>
    tpu.vector_store %arg1[%swap3A_788, %swap3A_789], %mul3A_787 {strides = array<i32>} : memref<64x512xf32, #tpu.memory_space<vmem>>, vector<1x512xf32>,
    %get3A_791 = arith.constant 0 : index
    %get3A_792 = arith.constant 3 : index
    %get3A_793 = arith.constant 0 : index
    %get3A_794 = arith.constant 0 : index
    %get3A_795 = vector.load %arg2[%get3A_791, %get3A_792, %get3A_793, %get3A_794] : memref<4x4x512x512xf32, #tpu.memory_space<vmem>>, vector<1x1x512x512xf32>
    %get3A_796 = vector.shape_cast %get3A_795 : vector<1x1x512x512xf32> to vector<512x512xf32>
    %reduce_sum3A_797 = arith.constant dense<0.000000e+00> : vector<512xf32>
    %reduce_sum3A_798 = vector.multi_reduction <add>, %get3A_796, %reduce_sum3A_797 [0] : vector<512x512xf32> to vector<512xf32>
    %broadcast_in_dim3A_799 = vector.shape_cast %reduce_sum3A_798 : vector<512xf32> to vector<1x512xf32>
    %mul3A_800 = arith.constant 0.001953125 : f32
    %mul3A_801 = vector.broadcast %mul3A_800 : f32 to vector<1x512xf32>
    %mul3A_802 = arith.mulf %broadcast_in_dim3A_799, %mul3A_801 : vector<1x512xf32>
    %swap3A_803 = arith.constant 35 : index
    %swap3A_804 = arith.constant 0 : index
    %swap3A_805 = vector.load %arg1[%swap3A_803, %swap3A_804] : memref<64x512xf32, #tpu.memory_space<vmem>>, vector<1x512xf32>
    tpu.vector_store %arg1[%swap3A_803, %swap3A_804], %mul3A_802 {strides = array<i32>} : memref<64x512xf32, #tpu.memory_space<vmem>>, vector<1x512xf32>,
    %dma_start3A_806 = arith.constant 0 : i32
    %dma_start3A_807 = arith.constant 0 : i32
    %dma_start3A_808 = tpu.memref_slice %arg3[%dma_start3A_807] : memref<4x!tpu.dma_semaphore, #tpu.memory_space<semaphore_mem>> -> memref<1x!tpu.dma_semaphore, #tpu.memory_space<semaphore_mem>>
    %dma_start3A_809 = tpu.memref_squeeze %dma_start3A_808 : memref<1x!tpu.dma_semaphore, #tpu.memory_space<semaphore_mem>> -> memref<!tpu.dma_semaphore, #tpu.memory_space<semaphore_mem>>
    %dma_start3A_810 = arith.constant 0 : i32
    %dma_start3A_811 = arith.constant 0 : i32
    %dma_start3A_812 = arith.constant 0 : i32
    %dma_start3A_813 = tpu.memref_slice %arg2[%dma_start3A_806, %dma_start3A_810, %dma_start3A_811, %dma_start3A_812] : memref<4x4x512x512xf32, #tpu.memory_space<vmem>> -> memref<1x4x512x512xf32, #tpu.memory_space<vmem>>
    %dma_start3A_814 = tpu.memref_squeeze %dma_start3A_813 : memref<1x4x512x512xf32, #tpu.memory_space<vmem>> -> memref<4x512x512xf32, #tpu.memory_space<vmem>>
    %dma_start3A_815 = arith.constant 48 : i32
    %dma_start3A_816 = arith.constant 0 : i32
    %dma_start3A_817 = arith.constant 0 : i32
    %dma_start3A_818 = tpu.memref_slice %arg0[%dma_start3A_815, %dma_start3A_816, %dma_start3A_817] : memref<64x512x512xf32, #tpu.memory_space<any>> -> memref<4x512x512xf32, #tpu.memory_space<any>>
    tpu.enqueue_dma source(%dma_start3A_818 : memref<4x512x512xf32, #tpu.memory_space<any>>) target(%dma_start3A_814 : memref<4x512x512xf32, #tpu.memory_space<vmem>>) target_semaphore(%dma_start3A_809 : memref<!tpu.dma_semaphore, #tpu.memory_space<semaphore_mem>>)
    %dma_wait3A_819 = arith.constant 1 : i32
    %dma_wait3A_820 = arith.constant 1 : i32
    %dma_wait3A_821 = tpu.memref_slice %arg3[%dma_wait3A_820] : memref<4x!tpu.dma_semaphore, #tpu.memory_space<semaphore_mem>> -> memref<1x!tpu.dma_semaphore, #tpu.memory_space<semaphore_mem>>
    %dma_wait3A_822 = tpu.memref_squeeze %dma_wait3A_821 : memref<1x!tpu.dma_semaphore, #tpu.memory_space<semaphore_mem>> -> memref<!tpu.dma_semaphore, #tpu.memory_space<semaphore_mem>>
    %dma_wait3A_823 = arith.constant 0 : i32
    %dma_wait3A_824 = arith.constant 0 : i32
    %dma_wait3A_825 = arith.constant 0 : i32
    %dma_wait3A_826 = tpu.memref_slice %arg2[%dma_wait3A_819, %dma_wait3A_823, %dma_wait3A_824, %dma_wait3A_825] : memref<4x4x512x512xf32, #tpu.memory_space<vmem>> -> memref<1x4x512x512xf32, #tpu.memory_space<vmem>>
    %dma_wait3A_827 = tpu.memref_squeeze %dma_wait3A_826 : memref<1x4x512x512xf32, #tpu.memory_space<vmem>> -> memref<4x512x512xf32, #tpu.memory_space<vmem>>
    %dma_wait3A_828 = arith.constant 36 : i32
    %dma_wait3A_829 = arith.constant 0 : i32
    %dma_wait3A_830 = arith.constant 0 : i32
    %dma_wait3A_831 = tpu.memref_slice %arg0[%dma_wait3A_828, %dma_wait3A_829, %dma_wait3A_830] : memref<64x512x512xf32, #tpu.memory_space<any>> -> memref<4x512x512xf32, #tpu.memory_space<any>>
    tpu.wait_dma2 semaphore(%dma_wait3A_822 : memref<!tpu.dma_semaphore, #tpu.memory_space<semaphore_mem>>) src(%dma_wait3A_831 : memref<4x512x512xf32, #tpu.memory_space<any>>) dst(%dma_wait3A_827 : memref<4x512x512xf32, #tpu.memory_space<vmem>>)
    %get3A_832 = arith.constant 1 : index
    %get3A_833 = arith.constant 0 : index
    %get3A_834 = arith.constant 0 : index
    %get3A_835 = arith.constant 0 : index
    %get3A_836 = vector.load %arg2[%get3A_832, %get3A_833, %get3A_834, %get3A_835] : memref<4x4x512x512xf32, #tpu.memory_space<vmem>>, vector<1x1x512x512xf32>
    %get3A_837 = vector.shape_cast %get3A_836 : vector<1x1x512x512xf32> to vector<512x512xf32>
    %reduce_sum3A_838 = arith.constant dense<0.000000e+00> : vector<512xf32>
    %reduce_sum3A_839 = vector.multi_reduction <add>, %get3A_837, %reduce_sum3A_838 [0] : vector<512x512xf32> to vector<512xf32>
    %broadcast_in_dim3A_840 = vector.shape_cast %reduce_sum3A_839 : vector<512xf32> to vector<1x512xf32>
    %mul3A_841 = arith.constant 0.001953125 : f32
    %mul3A_842 = vector.broadcast %mul3A_841 : f32 to vector<1x512xf32>
    %mul3A_843 = arith.mulf %broadcast_in_dim3A_840, %mul3A_842 : vector<1x512xf32>
    %swap3A_844 = arith.constant 36 : index
    %swap3A_845 = arith.constant 0 : index
    %swap3A_846 = vector.load %arg1[%swap3A_844, %swap3A_845] : memref<64x512xf32, #tpu.memory_space<vmem>>, vector<1x512xf32>
    tpu.vector_store %arg1[%swap3A_844, %swap3A_845], %mul3A_843 {strides = array<i32>} : memref<64x512xf32, #tpu.memory_space<vmem>>, vector<1x512xf32>,
    %get3A_847 = arith.constant 1 : index
    %get3A_848 = arith.constant 1 : index
    %get3A_849 = arith.constant 0 : index
    %get3A_850 = arith.constant 0 : index
    %get3A_851 = vector.load %arg2[%get3A_847, %get3A_848, %get3A_849, %get3A_850] : memref<4x4x512x512xf32, #tpu.memory_space<vmem>>, vector<1x1x512x512xf32>
    %get3A_852 = vector.shape_cast %get3A_851 : vector<1x1x512x512xf32> to vector<512x512xf32>
    %reduce_sum3A_853 = arith.constant dense<0.000000e+00> : vector<512xf32>
    %reduce_sum3A_854 = vector.multi_reduction <add>, %get3A_852, %reduce_sum3A_853 [0] : vector<512x512xf32> to vector<512xf32>
    %broadcast_in_dim3A_855 = vector.shape_cast %reduce_sum3A_854 : vector<512xf32> to vector<1x512xf32>
    %mul3A_856 = arith.constant 0.001953125 : f32
    %mul3A_857 = vector.broadcast %mul3A_856 : f32 to vector<1x512xf32>
    %mul3A_858 = arith.mulf %broadcast_in_dim3A_855, %mul3A_857 : vector<1x512xf32>
    %swap3A_859 = arith.constant 37 : index
    %swap3A_860 = arith.constant 0 : index
    %swap3A_861 = vector.load %arg1[%swap3A_859, %swap3A_860] : memref<64x512xf32, #tpu.memory_space<vmem>>, vector<1x512xf32>
    tpu.vector_store %arg1[%swap3A_859, %swap3A_860], %mul3A_858 {strides = array<i32>} : memref<64x512xf32, #tpu.memory_space<vmem>>, vector<1x512xf32>,
    %get3A_862 = arith.constant 1 : index
    %get3A_863 = arith.constant 2 : index
    %get3A_864 = arith.constant 0 : index
    %get3A_865 = arith.constant 0 : index
    %get3A_866 = vector.load %arg2[%get3A_862, %get3A_863, %get3A_864, %get3A_865] : memref<4x4x512x512xf32, #tpu.memory_space<vmem>>, vector<1x1x512x512xf32>
    %get3A_867 = vector.shape_cast %get3A_866 : vector<1x1x512x512xf32> to vector<512x512xf32>
    %reduce_sum3A_868 = arith.constant dense<0.000000e+00> : vector<512xf32>
    %reduce_sum3A_869 = vector.multi_reduction <add>, %get3A_867, %reduce_sum3A_868 [0] : vector<512x512xf32> to vector<512xf32>
    %broadcast_in_dim3A_870 = vector.shape_cast %reduce_sum3A_869 : vector<512xf32> to vector<1x512xf32>
    %mul3A_871 = arith.constant 0.001953125 : f32
    %mul3A_872 = vector.broadcast %mul3A_871 : f32 to vector<1x512xf32>
    %mul3A_873 = arith.mulf %broadcast_in_dim3A_870, %mul3A_872 : vector<1x512xf32>
    %swap3A_874 = arith.constant 38 : index
    %swap3A_875 = arith.constant 0 : index
    %swap3A_876 = vector.load %arg1[%swap3A_874, %swap3A_875] : memref<64x512xf32, #tpu.memory_space<vmem>>, vector<1x512xf32>
    tpu.vector_store %arg1[%swap3A_874, %swap3A_875], %mul3A_873 {strides = array<i32>} : memref<64x512xf32, #tpu.memory_space<vmem>>, vector<1x512xf32>,
    %get3A_877 = arith.constant 1 : index
    %get3A_878 = arith.constant 3 : index
    %get3A_879 = arith.constant 0 : index
    %get3A_880 = arith.constant 0 : index
    %get3A_881 = vector.load %arg2[%get3A_877, %get3A_878, %get3A_879, %get3A_880] : memref<4x4x512x512xf32, #tpu.memory_space<vmem>>, vector<1x1x512x512xf32>
    %get3A_882 = vector.shape_cast %get3A_881 : vector<1x1x512x512xf32> to vector<512x512xf32>
    %reduce_sum3A_883 = arith.constant dense<0.000000e+00> : vector<512xf32>
    %reduce_sum3A_884 = vector.multi_reduction <add>, %get3A_882, %reduce_sum3A_883 [0] : vector<512x512xf32> to vector<512xf32>
    %broadcast_in_dim3A_885 = vector.shape_cast %reduce_sum3A_884 : vector<512xf32> to vector<1x512xf32>
    %mul3A_886 = arith.constant 0.001953125 : f32
    %mul3A_887 = vector.broadcast %mul3A_886 : f32 to vector<1x512xf32>
    %mul3A_888 = arith.mulf %broadcast_in_dim3A_885, %mul3A_887 : vector<1x512xf32>
    %swap3A_889 = arith.constant 39 : index
    %swap3A_890 = arith.constant 0 : index
    %swap3A_891 = vector.load %arg1[%swap3A_889, %swap3A_890] : memref<64x512xf32, #tpu.memory_space<vmem>>, vector<1x512xf32>
    tpu.vector_store %arg1[%swap3A_889, %swap3A_890], %mul3A_888 {strides = array<i32>} : memref<64x512xf32, #tpu.memory_space<vmem>>, vector<1x512xf32>,
    %dma_start3A_892 = arith.constant 1 : i32
    %dma_start3A_893 = arith.constant 1 : i32
    %dma_start3A_894 = tpu.memref_slice %arg3[%dma_start3A_893] : memref<4x!tpu.dma_semaphore, #tpu.memory_space<semaphore_mem>> -> memref<1x!tpu.dma_semaphore, #tpu.memory_space<semaphore_mem>>
    %dma_start3A_895 = tpu.memref_squeeze %dma_start3A_894 : memref<1x!tpu.dma_semaphore, #tpu.memory_space<semaphore_mem>> -> memref<!tpu.dma_semaphore, #tpu.memory_space<semaphore_mem>>
    %dma_start3A_896 = arith.constant 0 : i32
    %dma_start3A_897 = arith.constant 0 : i32
    %dma_start3A_898 = arith.constant 0 : i32
    %dma_start3A_899 = tpu.memref_slice %arg2[%dma_start3A_892, %dma_start3A_896, %dma_start3A_897, %dma_start3A_898] : memref<4x4x512x512xf32, #tpu.memory_space<vmem>> -> memref<1x4x512x512xf32, #tpu.memory_space<vmem>>
    %dma_start3A_900 = tpu.memref_squeeze %dma_start3A_899 : memref<1x4x512x512xf32, #tpu.memory_space<vmem>> -> memref<4x512x512xf32, #tpu.memory_space<vmem>>
    %dma_start3A_901 = arith.constant 52 : i32
    %dma_start3A_902 = arith.constant 0 : i32
    %dma_start3A_903 = arith.constant 0 : i32
    %dma_start3A_904 = tpu.memref_slice %arg0[%dma_start3A_901, %dma_start3A_902, %dma_start3A_903] : memref<64x512x512xf32, #tpu.memory_space<any>> -> memref<4x512x512xf32, #tpu.memory_space<any>>
    tpu.enqueue_dma source(%dma_start3A_904 : memref<4x512x512xf32, #tpu.memory_space<any>>) target(%dma_start3A_900 : memref<4x512x512xf32, #tpu.memory_space<vmem>>) target_semaphore(%dma_start3A_895 : memref<!tpu.dma_semaphore, #tpu.memory_space<semaphore_mem>>)
    %dma_wait3A_905 = arith.constant 2 : i32
    %dma_wait3A_906 = arith.constant 2 : i32
    %dma_wait3A_907 = tpu.memref_slice %arg3[%dma_wait3A_906] : memref<4x!tpu.dma_semaphore, #tpu.memory_space<semaphore_mem>> -> memref<1x!tpu.dma_semaphore, #tpu.memory_space<semaphore_mem>>
    %dma_wait3A_908 = tpu.memref_squeeze %dma_wait3A_907 : memref<1x!tpu.dma_semaphore, #tpu.memory_space<semaphore_mem>> -> memref<!tpu.dma_semaphore, #tpu.memory_space<semaphore_mem>>
    %dma_wait3A_909 = arith.constant 0 : i32
    %dma_wait3A_910 = arith.constant 0 : i32
    %dma_wait3A_911 = arith.constant 0 : i32
    %dma_wait3A_912 = tpu.memref_slice %arg2[%dma_wait3A_905, %dma_wait3A_909, %dma_wait3A_910, %dma_wait3A_911] : memref<4x4x512x512xf32, #tpu.memory_space<vmem>> -> memref<1x4x512x512xf32, #tpu.memory_space<vmem>>
    %dma_wait3A_913 = tpu.memref_squeeze %dma_wait3A_912 : memref<1x4x512x512xf32, #tpu.memory_space<vmem>> -> memref<4x512x512xf32, #tpu.memory_space<vmem>>
    %dma_wait3A_914 = arith.constant 40 : i32
    %dma_wait3A_915 = arith.constant 0 : i32
    %dma_wait3A_916 = arith.constant 0 : i32
    %dma_wait3A_917 = tpu.memref_slice %arg0[%dma_wait3A_914, %dma_wait3A_915, %dma_wait3A_916] : memref<64x512x512xf32, #tpu.memory_space<any>> -> memref<4x512x512xf32, #tpu.memory_space<any>>
    tpu.wait_dma2 semaphore(%dma_wait3A_908 : memref<!tpu.dma_semaphore, #tpu.memory_space<semaphore_mem>>) src(%dma_wait3A_917 : memref<4x512x512xf32, #tpu.memory_space<any>>) dst(%dma_wait3A_913 : memref<4x512x512xf32, #tpu.memory_space<vmem>>)
    %get3A_918 = arith.constant 2 : index
    %get3A_919 = arith.constant 0 : index
    %get3A_920 = arith.constant 0 : index
    %get3A_921 = arith.constant 0 : index
    %get3A_922 = vector.load %arg2[%get3A_918, %get3A_919, %get3A_920, %get3A_921] : memref<4x4x512x512xf32, #tpu.memory_space<vmem>>, vector<1x1x512x512xf32>
    %get3A_923 = vector.shape_cast %get3A_922 : vector<1x1x512x512xf32> to vector<512x512xf32>
    %reduce_sum3A_924 = arith.constant dense<0.000000e+00> : vector<512xf32>
    %reduce_sum3A_925 = vector.multi_reduction <add>, %get3A_923, %reduce_sum3A_924 [0] : vector<512x512xf32> to vector<512xf32>
    %broadcast_in_dim3A_926 = vector.shape_cast %reduce_sum3A_925 : vector<512xf32> to vector<1x512xf32>
    %mul3A_927 = arith.constant 0.001953125 : f32
    %mul3A_928 = vector.broadcast %mul3A_927 : f32 to vector<1x512xf32>
    %mul3A_929 = arith.mulf %broadcast_in_dim3A_926, %mul3A_928 : vector<1x512xf32>
    %swap3A_930 = arith.constant 40 : index
    %swap3A_931 = arith.constant 0 : index
    %swap3A_932 = vector.load %arg1[%swap3A_930, %swap3A_931] : memref<64x512xf32, #tpu.memory_space<vmem>>, vector<1x512xf32>
    tpu.vector_store %arg1[%swap3A_930, %swap3A_931], %mul3A_929 {strides = array<i32>} : memref<64x512xf32, #tpu.memory_space<vmem>>, vector<1x512xf32>,
    %get3A_933 = arith.constant 2 : index
    %get3A_934 = arith.constant 1 : index
    %get3A_935 = arith.constant 0 : index
    %get3A_936 = arith.constant 0 : index
    %get3A_937 = vector.load %arg2[%get3A_933, %get3A_934, %get3A_935, %get3A_936] : memref<4x4x512x512xf32, #tpu.memory_space<vmem>>, vector<1x1x512x512xf32>
    %get3A_938 = vector.shape_cast %get3A_937 : vector<1x1x512x512xf32> to vector<512x512xf32>
    %reduce_sum3A_939 = arith.constant dense<0.000000e+00> : vector<512xf32>
    %reduce_sum3A_940 = vector.multi_reduction <add>, %get3A_938, %reduce_sum3A_939 [0] : vector<512x512xf32> to vector<512xf32>
    %broadcast_in_dim3A_941 = vector.shape_cast %reduce_sum3A_940 : vector<512xf32> to vector<1x512xf32>
    %mul3A_942 = arith.constant 0.001953125 : f32
    %mul3A_943 = vector.broadcast %mul3A_942 : f32 to vector<1x512xf32>
    %mul3A_944 = arith.mulf %broadcast_in_dim3A_941, %mul3A_943 : vector<1x512xf32>
    %swap3A_945 = arith.constant 41 : index
    %swap3A_946 = arith.constant 0 : index
    %swap3A_947 = vector.load %arg1[%swap3A_945, %swap3A_946] : memref<64x512xf32, #tpu.memory_space<vmem>>, vector<1x512xf32>
    tpu.vector_store %arg1[%swap3A_945, %swap3A_946], %mul3A_944 {strides = array<i32>} : memref<64x512xf32, #tpu.memory_space<vmem>>, vector<1x512xf32>,
    %get3A_948 = arith.constant 2 : index
    %get3A_949 = arith.constant 2 : index
    %get3A_950 = arith.constant 0 : index
    %get3A_951 = arith.constant 0 : index
    %get3A_952 = vector.load %arg2[%get3A_948, %get3A_949, %get3A_950, %get3A_951] : memref<4x4x512x512xf32, #tpu.memory_space<vmem>>, vector<1x1x512x512xf32>
    %get3A_953 = vector.shape_cast %get3A_952 : vector<1x1x512x512xf32> to vector<512x512xf32>
    %reduce_sum3A_954 = arith.constant dense<0.000000e+00> : vector<512xf32>
    %reduce_sum3A_955 = vector.multi_reduction <add>, %get3A_953, %reduce_sum3A_954 [0] : vector<512x512xf32> to vector<512xf32>
    %broadcast_in_dim3A_956 = vector.shape_cast %reduce_sum3A_955 : vector<512xf32> to vector<1x512xf32>
    %mul3A_957 = arith.constant 0.001953125 : f32
    %mul3A_958 = vector.broadcast %mul3A_957 : f32 to vector<1x512xf32>
    %mul3A_959 = arith.mulf %broadcast_in_dim3A_956, %mul3A_958 : vector<1x512xf32>
    %swap3A_960 = arith.constant 42 : index
    %swap3A_961 = arith.constant 0 : index
    %swap3A_962 = vector.load %arg1[%swap3A_960, %swap3A_961] : memref<64x512xf32, #tpu.memory_space<vmem>>, vector<1x512xf32>
    tpu.vector_store %arg1[%swap3A_960, %swap3A_961], %mul3A_959 {strides = array<i32>} : memref<64x512xf32, #tpu.memory_space<vmem>>, vector<1x512xf32>,
    %get3A_963 = arith.constant 2 : index
    %get3A_964 = arith.constant 3 : index
    %get3A_965 = arith.constant 0 : index
    %get3A_966 = arith.constant 0 : index
    %get3A_967 = vector.load %arg2[%get3A_963, %get3A_964, %get3A_965, %get3A_966] : memref<4x4x512x512xf32, #tpu.memory_space<vmem>>, vector<1x1x512x512xf32>
    %get3A_968 = vector.shape_cast %get3A_967 : vector<1x1x512x512xf32> to vector<512x512xf32>
    %reduce_sum3A_969 = arith.constant dense<0.000000e+00> : vector<512xf32>
    %reduce_sum3A_970 = vector.multi_reduction <add>, %get3A_968, %reduce_sum3A_969 [0] : vector<512x512xf32> to vector<512xf32>
    %broadcast_in_dim3A_971 = vector.shape_cast %reduce_sum3A_970 : vector<512xf32> to vector<1x512xf32>
    %mul3A_972 = arith.constant 0.001953125 : f32
    %mul3A_973 = vector.broadcast %mul3A_972 : f32 to vector<1x512xf32>
    %mul3A_974 = arith.mulf %broadcast_in_dim3A_971, %mul3A_973 : vector<1x512xf32>
    %swap3A_975 = arith.constant 43 : index
    %swap3A_976 = arith.constant 0 : index
    %swap3A_977 = vector.load %arg1[%swap3A_975, %swap3A_976] : memref<64x512xf32, #tpu.memory_space<vmem>>, vector<1x512xf32>
    tpu.vector_store %arg1[%swap3A_975, %swap3A_976], %mul3A_974 {strides = array<i32>} : memref<64x512xf32, #tpu.memory_space<vmem>>, vector<1x512xf32>,
    %dma_start3A_978 = arith.constant 2 : i32
    %dma_start3A_979 = arith.constant 2 : i32
    %dma_start3A_980 = tpu.memref_slice %arg3[%dma_start3A_979] : memref<4x!tpu.dma_semaphore, #tpu.memory_space<semaphore_mem>> -> memref<1x!tpu.dma_semaphore, #tpu.memory_space<semaphore_mem>>
    %dma_start3A_981 = tpu.memref_squeeze %dma_start3A_980 : memref<1x!tpu.dma_semaphore, #tpu.memory_space<semaphore_mem>> -> memref<!tpu.dma_semaphore, #tpu.memory_space<semaphore_mem>>
    %dma_start3A_982 = arith.constant 0 : i32
    %dma_start3A_983 = arith.constant 0 : i32
    %dma_start3A_984 = arith.constant 0 : i32
    %dma_start3A_985 = tpu.memref_slice %arg2[%dma_start3A_978, %dma_start3A_982, %dma_start3A_983, %dma_start3A_984] : memref<4x4x512x512xf32, #tpu.memory_space<vmem>> -> memref<1x4x512x512xf32, #tpu.memory_space<vmem>>
    %dma_start3A_986 = tpu.memref_squeeze %dma_start3A_985 : memref<1x4x512x512xf32, #tpu.memory_space<vmem>> -> memref<4x512x512xf32, #tpu.memory_space<vmem>>
    %dma_start3A_987 = arith.constant 56 : i32
    %dma_start3A_988 = arith.constant 0 : i32
    %dma_start3A_989 = arith.constant 0 : i32
    %dma_start3A_990 = tpu.memref_slice %arg0[%dma_start3A_987, %dma_start3A_988, %dma_start3A_989] : memref<64x512x512xf32, #tpu.memory_space<any>> -> memref<4x512x512xf32, #tpu.memory_space<any>>
    tpu.enqueue_dma source(%dma_start3A_990 : memref<4x512x512xf32, #tpu.memory_space<any>>) target(%dma_start3A_986 : memref<4x512x512xf32, #tpu.memory_space<vmem>>) target_semaphore(%dma_start3A_981 : memref<!tpu.dma_semaphore, #tpu.memory_space<semaphore_mem>>)
    %dma_wait3A_991 = arith.constant 3 : i32
    %dma_wait3A_992 = arith.constant 3 : i32
    %dma_wait3A_993 = tpu.memref_slice %arg3[%dma_wait3A_992] : memref<4x!tpu.dma_semaphore, #tpu.memory_space<semaphore_mem>> -> memref<1x!tpu.dma_semaphore, #tpu.memory_space<semaphore_mem>>
    %dma_wait3A_994 = tpu.memref_squeeze %dma_wait3A_993 : memref<1x!tpu.dma_semaphore, #tpu.memory_space<semaphore_mem>> -> memref<!tpu.dma_semaphore, #tpu.memory_space<semaphore_mem>>
    %dma_wait3A_995 = arith.constant 0 : i32
    %dma_wait3A_996 = arith.constant 0 : i32
    %dma_wait3A_997 = arith.constant 0 : i32
    %dma_wait3A_998 = tpu.memref_slice %arg2[%dma_wait3A_991, %dma_wait3A_995, %dma_wait3A_996, %dma_wait3A_997] : memref<4x4x512x512xf32, #tpu.memory_space<vmem>> -> memref<1x4x512x512xf32, #tpu.memory_space<vmem>>
    %dma_wait3A_999 = tpu.memref_squeeze %dma_wait3A_998 : memref<1x4x512x512xf32, #tpu.memory_space<vmem>> -> memref<4x512x512xf32, #tpu.memory_space<vmem>>
    %dma_wait3A_1000 = arith.constant 44 : i32
    %dma_wait3A_1001 = arith.constant 0 : i32
    %dma_wait3A_1002 = arith.constant 0 : i32
    %dma_wait3A_1003 = tpu.memref_slice %arg0[%dma_wait3A_1000, %dma_wait3A_1001, %dma_wait3A_1002] : memref<64x512x512xf32, #tpu.memory_space<any>> -> memref<4x512x512xf32, #tpu.memory_space<any>>
    tpu.wait_dma2 semaphore(%dma_wait3A_994 : memref<!tpu.dma_semaphore, #tpu.memory_space<semaphore_mem>>) src(%dma_wait3A_1003 : memref<4x512x512xf32, #tpu.memory_space<any>>) dst(%dma_wait3A_999 : memref<4x512x512xf32, #tpu.memory_space<vmem>>)
    %get3A_1004 = arith.constant 3 : index
    %get3A_1005 = arith.constant 0 : index
    %get3A_1006 = arith.constant 0 : index
    %get3A_1007 = arith.constant 0 : index
    %get3A_1008 = vector.load %arg2[%get3A_1004, %get3A_1005, %get3A_1006, %get3A_1007] : memref<4x4x512x512xf32, #tpu.memory_space<vmem>>, vector<1x1x512x512xf32>
    %get3A_1009 = vector.shape_cast %get3A_1008 : vector<1x1x512x512xf32> to vector<512x512xf32>
    %reduce_sum3A_1010 = arith.constant dense<0.000000e+00> : vector<512xf32>
    %reduce_sum3A_1011 = vector.multi_reduction <add>, %get3A_1009, %reduce_sum3A_1010 [0] : vector<512x512xf32> to vector<512xf32>
    %broadcast_in_dim3A_1012 = vector.shape_cast %reduce_sum3A_1011 : vector<512xf32> to vector<1x512xf32>
    %mul3A_1013 = arith.constant 0.001953125 : f32
    %mul3A_1014 = vector.broadcast %mul3A_1013 : f32 to vector<1x512xf32>
    %mul3A_1015 = arith.mulf %broadcast_in_dim3A_1012, %mul3A_1014 : vector<1x512xf32>
    %swap3A_1016 = arith.constant 44 : index
    %swap3A_1017 = arith.constant 0 : index
    %swap3A_1018 = vector.load %arg1[%swap3A_1016, %swap3A_1017] : memref<64x512xf32, #tpu.memory_space<vmem>>, vector<1x512xf32>
    tpu.vector_store %arg1[%swap3A_1016, %swap3A_1017], %mul3A_1015 {strides = array<i32>} : memref<64x512xf32, #tpu.memory_space<vmem>>, vector<1x512xf32>,
    %get3A_1019 = arith.constant 3 : index
    %get3A_1020 = arith.constant 1 : index
    %get3A_1021 = arith.constant 0 : index
    %get3A_1022 = arith.constant 0 : index
    %get3A_1023 = vector.load %arg2[%get3A_1019, %get3A_1020, %get3A_1021, %get3A_1022] : memref<4x4x512x512xf32, #tpu.memory_space<vmem>>, vector<1x1x512x512xf32>
    %get3A_1024 = vector.shape_cast %get3A_1023 : vector<1x1x512x512xf32> to vector<512x512xf32>
    %reduce_sum3A_1025 = arith.constant dense<0.000000e+00> : vector<512xf32>
    %reduce_sum3A_1026 = vector.multi_reduction <add>, %get3A_1024, %reduce_sum3A_1025 [0] : vector<512x512xf32> to vector<512xf32>
    %broadcast_in_dim3A_1027 = vector.shape_cast %reduce_sum3A_1026 : vector<512xf32> to vector<1x512xf32>
    %mul3A_1028 = arith.constant 0.001953125 : f32
    %mul3A_1029 = vector.broadcast %mul3A_1028 : f32 to vector<1x512xf32>
    %mul3A_1030 = arith.mulf %broadcast_in_dim3A_1027, %mul3A_1029 : vector<1x512xf32>
    %swap3A_1031 = arith.constant 45 : index
    %swap3A_1032 = arith.constant 0 : index
    %swap3A_1033 = vector.load %arg1[%swap3A_1031, %swap3A_1032] : memref<64x512xf32, #tpu.memory_space<vmem>>, vector<1x512xf32>
    tpu.vector_store %arg1[%swap3A_1031, %swap3A_1032], %mul3A_1030 {strides = array<i32>} : memref<64x512xf32, #tpu.memory_space<vmem>>, vector<1x512xf32>,
    %get3A_1034 = arith.constant 3 : index
    %get3A_1035 = arith.constant 2 : index
    %get3A_1036 = arith.constant 0 : index
    %get3A_1037 = arith.constant 0 : index
    %get3A_1038 = vector.load %arg2[%get3A_1034, %get3A_1035, %get3A_1036, %get3A_1037] : memref<4x4x512x512xf32, #tpu.memory_space<vmem>>, vector<1x1x512x512xf32>
    %get3A_1039 = vector.shape_cast %get3A_1038 : vector<1x1x512x512xf32> to vector<512x512xf32>
    %reduce_sum3A_1040 = arith.constant dense<0.000000e+00> : vector<512xf32>
    %reduce_sum3A_1041 = vector.multi_reduction <add>, %get3A_1039, %reduce_sum3A_1040 [0] : vector<512x512xf32> to vector<512xf32>
    %broadcast_in_dim3A_1042 = vector.shape_cast %reduce_sum3A_1041 : vector<512xf32> to vector<1x512xf32>
    %mul3A_1043 = arith.constant 0.001953125 : f32
    %mul3A_1044 = vector.broadcast %mul3A_1043 : f32 to vector<1x512xf32>
    %mul3A_1045 = arith.mulf %broadcast_in_dim3A_1042, %mul3A_1044 : vector<1x512xf32>
    %swap3A_1046 = arith.constant 46 : index
    %swap3A_1047 = arith.constant 0 : index
    %swap3A_1048 = vector.load %arg1[%swap3A_1046, %swap3A_1047] : memref<64x512xf32, #tpu.memory_space<vmem>>, vector<1x512xf32>
    tpu.vector_store %arg1[%swap3A_1046, %swap3A_1047], %mul3A_1045 {strides = array<i32>} : memref<64x512xf32, #tpu.memory_space<vmem>>, vector<1x512xf32>,
    %get3A_1049 = arith.constant 3 : index
    %get3A_1050 = arith.constant 3 : index
    %get3A_1051 = arith.constant 0 : index
    %get3A_1052 = arith.constant 0 : index
    %get3A_1053 = vector.load %arg2[%get3A_1049, %get3A_1050, %get3A_1051, %get3A_1052] : memref<4x4x512x512xf32, #tpu.memory_space<vmem>>, vector<1x1x512x512xf32>
    %get3A_1054 = vector.shape_cast %get3A_1053 : vector<1x1x512x512xf32> to vector<512x512xf32>
    %reduce_sum3A_1055 = arith.constant dense<0.000000e+00> : vector<512xf32>
    %reduce_sum3A_1056 = vector.multi_reduction <add>, %get3A_1054, %reduce_sum3A_1055 [0] : vector<512x512xf32> to vector<512xf32>
    %broadcast_in_dim3A_1057 = vector.shape_cast %reduce_sum3A_1056 : vector<512xf32> to vector<1x512xf32>
    %mul3A_1058 = arith.constant 0.001953125 : f32
    %mul3A_1059 = vector.broadcast %mul3A_1058 : f32 to vector<1x512xf32>
    %mul3A_1060 = arith.mulf %broadcast_in_dim3A_1057, %mul3A_1059 : vector<1x512xf32>
    %swap3A_1061 = arith.constant 47 : index
    %swap3A_1062 = arith.constant 0 : index
    %swap3A_1063 = vector.load %arg1[%swap3A_1061, %swap3A_1062] : memref<64x512xf32, #tpu.memory_space<vmem>>, vector<1x512xf32>
    tpu.vector_store %arg1[%swap3A_1061, %swap3A_1062], %mul3A_1060 {strides = array<i32>} : memref<64x512xf32, #tpu.memory_space<vmem>>, vector<1x512xf32>,
    %dma_start3A_1064 = arith.constant 3 : i32
    %dma_start3A_1065 = arith.constant 3 : i32
    %dma_start3A_1066 = tpu.memref_slice %arg3[%dma_start3A_1065] : memref<4x!tpu.dma_semaphore, #tpu.memory_space<semaphore_mem>> -> memref<1x!tpu.dma_semaphore, #tpu.memory_space<semaphore_mem>>
    %dma_start3A_1067 = tpu.memref_squeeze %dma_start3A_1066 : memref<1x!tpu.dma_semaphore, #tpu.memory_space<semaphore_mem>> -> memref<!tpu.dma_semaphore, #tpu.memory_space<semaphore_mem>>
    %dma_start3A_1068 = arith.constant 0 : i32
    %dma_start3A_1069 = arith.constant 0 : i32
    %dma_start3A_1070 = arith.constant 0 : i32
    %dma_start3A_1071 = tpu.memref_slice %arg2[%dma_start3A_1064, %dma_start3A_1068, %dma_start3A_1069, %dma_start3A_1070] : memref<4x4x512x512xf32, #tpu.memory_space<vmem>> -> memref<1x4x512x512xf32, #tpu.memory_space<vmem>>
    %dma_start3A_1072 = tpu.memref_squeeze %dma_start3A_1071 : memref<1x4x512x512xf32, #tpu.memory_space<vmem>> -> memref<4x512x512xf32, #tpu.memory_space<vmem>>
    %dma_start3A_1073 = arith.constant 60 : i32
    %dma_start3A_1074 = arith.constant 0 : i32
    %dma_start3A_1075 = arith.constant 0 : i32
    %dma_start3A_1076 = tpu.memref_slice %arg0[%dma_start3A_1073, %dma_start3A_1074, %dma_start3A_1075] : memref<64x512x512xf32, #tpu.memory_space<any>> -> memref<4x512x512xf32, #tpu.memory_space<any>>
    tpu.enqueue_dma source(%dma_start3A_1076 : memref<4x512x512xf32, #tpu.memory_space<any>>) target(%dma_start3A_1072 : memref<4x512x512xf32, #tpu.memory_space<vmem>>) target_semaphore(%dma_start3A_1067 : memref<!tpu.dma_semaphore, #tpu.memory_space<semaphore_mem>>)
    %dma_wait3A_1077 = arith.constant 0 : i32
    %dma_wait3A_1078 = arith.constant 0 : i32
    %dma_wait3A_1079 = tpu.memref_slice %arg3[%dma_wait3A_1078] : memref<4x!tpu.dma_semaphore, #tpu.memory_space<semaphore_mem>> -> memref<1x!tpu.dma_semaphore, #tpu.memory_space<semaphore_mem>>
    %dma_wait3A_1080 = tpu.memref_squeeze %dma_wait3A_1079 : memref<1x!tpu.dma_semaphore, #tpu.memory_space<semaphore_mem>> -> memref<!tpu.dma_semaphore, #tpu.memory_space<semaphore_mem>>
    %dma_wait3A_1081 = arith.constant 0 : i32
    %dma_wait3A_1082 = arith.constant 0 : i32
    %dma_wait3A_1083 = arith.constant 0 : i32
    %dma_wait3A_1084 = tpu.memref_slice %arg2[%dma_wait3A_1077, %dma_wait3A_1081, %dma_wait3A_1082, %dma_wait3A_1083] : memref<4x4x512x512xf32, #tpu.memory_space<vmem>> -> memref<1x4x512x512xf32, #tpu.memory_space<vmem>>
    %dma_wait3A_1085 = tpu.memref_squeeze %dma_wait3A_1084 : memref<1x4x512x512xf32, #tpu.memory_space<vmem>> -> memref<4x512x512xf32, #tpu.memory_space<vmem>>
    %dma_wait3A_1086 = arith.constant 48 : i32
    %dma_wait3A_1087 = arith.constant 0 : i32
    %dma_wait3A_1088 = arith.constant 0 : i32
    %dma_wait3A_1089 = tpu.memref_slice %arg0[%dma_wait3A_1086, %dma_wait3A_1087, %dma_wait3A_1088] : memref<64x512x512xf32, #tpu.memory_space<any>> -> memref<4x512x512xf32, #tpu.memory_space<any>>
    tpu.wait_dma2 semaphore(%dma_wait3A_1080 : memref<!tpu.dma_semaphore, #tpu.memory_space<semaphore_mem>>) src(%dma_wait3A_1089 : memref<4x512x512xf32, #tpu.memory_space<any>>) dst(%dma_wait3A_1085 : memref<4x512x512xf32, #tpu.memory_space<vmem>>)
    %get3A_1090 = arith.constant 0 : index
    %get3A_1091 = arith.constant 0 : index
    %get3A_1092 = arith.constant 0 : index
    %get3A_1093 = arith.constant 0 : index
    %get3A_1094 = vector.load %arg2[%get3A_1090, %get3A_1091, %get3A_1092, %get3A_1093] : memref<4x4x512x512xf32, #tpu.memory_space<vmem>>, vector<1x1x512x512xf32>
    %get3A_1095 = vector.shape_cast %get3A_1094 : vector<1x1x512x512xf32> to vector<512x512xf32>
    %reduce_sum3A_1096 = arith.constant dense<0.000000e+00> : vector<512xf32>
    %reduce_sum3A_1097 = vector.multi_reduction <add>, %get3A_1095, %reduce_sum3A_1096 [0] : vector<512x512xf32> to vector<512xf32>
    %broadcast_in_dim3A_1098 = vector.shape_cast %reduce_sum3A_1097 : vector<512xf32> to vector<1x512xf32>
    %mul3A_1099 = arith.constant 0.001953125 : f32
    %mul3A_1100 = vector.broadcast %mul3A_1099 : f32 to vector<1x512xf32>
    %mul3A_1101 = arith.mulf %broadcast_in_dim3A_1098, %mul3A_1100 : vector<1x512xf32>
    %swap3A_1102 = arith.constant 48 : index
    %swap3A_1103 = arith.constant 0 : index
    %swap3A_1104 = vector.load %arg1[%swap3A_1102, %swap3A_1103] : memref<64x512xf32, #tpu.memory_space<vmem>>, vector<1x512xf32>
    tpu.vector_store %arg1[%swap3A_1102, %swap3A_1103], %mul3A_1101 {strides = array<i32>} : memref<64x512xf32, #tpu.memory_space<vmem>>, vector<1x512xf32>,
    %get3A_1105 = arith.constant 0 : index
    %get3A_1106 = arith.constant 1 : index
    %get3A_1107 = arith.constant 0 : index
    %get3A_1108 = arith.constant 0 : index
    %get3A_1109 = vector.load %arg2[%get3A_1105, %get3A_1106, %get3A_1107, %get3A_1108] : memref<4x4x512x512xf32, #tpu.memory_space<vmem>>, vector<1x1x512x512xf32>
    %get3A_1110 = vector.shape_cast %get3A_1109 : vector<1x1x512x512xf32> to vector<512x512xf32>
    %reduce_sum3A_1111 = arith.constant dense<0.000000e+00> : vector<512xf32>
    %reduce_sum3A_1112 = vector.multi_reduction <add>, %get3A_1110, %reduce_sum3A_1111 [0] : vector<512x512xf32> to vector<512xf32>
    %broadcast_in_dim3A_1113 = vector.shape_cast %reduce_sum3A_1112 : vector<512xf32> to vector<1x512xf32>
    %mul3A_1114 = arith.constant 0.001953125 : f32
    %mul3A_1115 = vector.broadcast %mul3A_1114 : f32 to vector<1x512xf32>
    %mul3A_1116 = arith.mulf %broadcast_in_dim3A_1113, %mul3A_1115 : vector<1x512xf32>
    %swap3A_1117 = arith.constant 49 : index
    %swap3A_1118 = arith.constant 0 : index
    %swap3A_1119 = vector.load %arg1[%swap3A_1117, %swap3A_1118] : memref<64x512xf32, #tpu.memory_space<vmem>>, vector<1x512xf32>
    tpu.vector_store %arg1[%swap3A_1117, %swap3A_1118], %mul3A_1116 {strides = array<i32>} : memref<64x512xf32, #tpu.memory_space<vmem>>, vector<1x512xf32>,
    %get3A_1120 = arith.constant 0 : index
    %get3A_1121 = arith.constant 2 : index
    %get3A_1122 = arith.constant 0 : index
    %get3A_1123 = arith.constant 0 : index
    %get3A_1124 = vector.load %arg2[%get3A_1120, %get3A_1121, %get3A_1122, %get3A_1123] : memref<4x4x512x512xf32, #tpu.memory_space<vmem>>, vector<1x1x512x512xf32>
    %get3A_1125 = vector.shape_cast %get3A_1124 : vector<1x1x512x512xf32> to vector<512x512xf32>
    %reduce_sum3A_1126 = arith.constant dense<0.000000e+00> : vector<512xf32>
    %reduce_sum3A_1127 = vector.multi_reduction <add>, %get3A_1125, %reduce_sum3A_1126 [0] : vector<512x512xf32> to vector<512xf32>
    %broadcast_in_dim3A_1128 = vector.shape_cast %reduce_sum3A_1127 : vector<512xf32> to vector<1x512xf32>
    %mul3A_1129 = arith.constant 0.001953125 : f32
    %mul3A_1130 = vector.broadcast %mul3A_1129 : f32 to vector<1x512xf32>
    %mul3A_1131 = arith.mulf %broadcast_in_dim3A_1128, %mul3A_1130 : vector<1x512xf32>
    %swap3A_1132 = arith.constant 50 : index
    %swap3A_1133 = arith.constant 0 : index
    %swap3A_1134 = vector.load %arg1[%swap3A_1132, %swap3A_1133] : memref<64x512xf32, #tpu.memory_space<vmem>>, vector<1x512xf32>
    tpu.vector_store %arg1[%swap3A_1132, %swap3A_1133], %mul3A_1131 {strides = array<i32>} : memref<64x512xf32, #tpu.memory_space<vmem>>, vector<1x512xf32>,
    %get3A_1135 = arith.constant 0 : index
    %get3A_1136 = arith.constant 3 : index
    %get3A_1137 = arith.constant 0 : index
    %get3A_1138 = arith.constant 0 : index
    %get3A_1139 = vector.load %arg2[%get3A_1135, %get3A_1136, %get3A_1137, %get3A_1138] : memref<4x4x512x512xf32, #tpu.memory_space<vmem>>, vector<1x1x512x512xf32>
    %get3A_1140 = vector.shape_cast %get3A_1139 : vector<1x1x512x512xf32> to vector<512x512xf32>
    %reduce_sum3A_1141 = arith.constant dense<0.000000e+00> : vector<512xf32>
    %reduce_sum3A_1142 = vector.multi_reduction <add>, %get3A_1140, %reduce_sum3A_1141 [0] : vector<512x512xf32> to vector<512xf32>
    %broadcast_in_dim3A_1143 = vector.shape_cast %reduce_sum3A_1142 : vector<512xf32> to vector<1x512xf32>
    %mul3A_1144 = arith.constant 0.001953125 : f32
    %mul3A_1145 = vector.broadcast %mul3A_1144 : f32 to vector<1x512xf32>
    %mul3A_1146 = arith.mulf %broadcast_in_dim3A_1143, %mul3A_1145 : vector<1x512xf32>
    %swap3A_1147 = arith.constant 51 : index
    %swap3A_1148 = arith.constant 0 : index
    %swap3A_1149 = vector.load %arg1[%swap3A_1147, %swap3A_1148] : memref<64x512xf32, #tpu.memory_space<vmem>>, vector<1x512xf32>
    tpu.vector_store %arg1[%swap3A_1147, %swap3A_1148], %mul3A_1146 {strides = array<i32>} : memref<64x512xf32, #tpu.memory_space<vmem>>, vector<1x512xf32>,
    %dma_wait3A_1150 = arith.constant 1 : i32
    %dma_wait3A_1151 = arith.constant 1 : i32
    %dma_wait3A_1152 = tpu.memref_slice %arg3[%dma_wait3A_1151] : memref<4x!tpu.dma_semaphore, #tpu.memory_space<semaphore_mem>> -> memref<1x!tpu.dma_semaphore, #tpu.memory_space<semaphore_mem>>
    %dma_wait3A_1153 = tpu.memref_squeeze %dma_wait3A_1152 : memref<1x!tpu.dma_semaphore, #tpu.memory_space<semaphore_mem>> -> memref<!tpu.dma_semaphore, #tpu.memory_space<semaphore_mem>>
    %dma_wait3A_1154 = arith.constant 0 : i32
    %dma_wait3A_1155 = arith.constant 0 : i32
    %dma_wait3A_1156 = arith.constant 0 : i32
    %dma_wait3A_1157 = tpu.memref_slice %arg2[%dma_wait3A_1150, %dma_wait3A_1154, %dma_wait3A_1155, %dma_wait3A_1156] : memref<4x4x512x512xf32, #tpu.memory_space<vmem>> -> memref<1x4x512x512xf32, #tpu.memory_space<vmem>>
    %dma_wait3A_1158 = tpu.memref_squeeze %dma_wait3A_1157 : memref<1x4x512x512xf32, #tpu.memory_space<vmem>> -> memref<4x512x512xf32, #tpu.memory_space<vmem>>
    %dma_wait3A_1159 = arith.constant 52 : i32
    %dma_wait3A_1160 = arith.constant 0 : i32
    %dma_wait3A_1161 = arith.constant 0 : i32
    %dma_wait3A_1162 = tpu.memref_slice %arg0[%dma_wait3A_1159, %dma_wait3A_1160, %dma_wait3A_1161] : memref<64x512x512xf32, #tpu.memory_space<any>> -> memref<4x512x512xf32, #tpu.memory_space<any>>
    tpu.wait_dma2 semaphore(%dma_wait3A_1153 : memref<!tpu.dma_semaphore, #tpu.memory_space<semaphore_mem>>) src(%dma_wait3A_1162 : memref<4x512x512xf32, #tpu.memory_space<any>>) dst(%dma_wait3A_1158 : memref<4x512x512xf32, #tpu.memory_space<vmem>>)
    %get3A_1163 = arith.constant 1 : index
    %get3A_1164 = arith.constant 0 : index
    %get3A_1165 = arith.constant 0 : index
    %get3A_1166 = arith.constant 0 : index
    %get3A_1167 = vector.load %arg2[%get3A_1163, %get3A_1164, %get3A_1165, %get3A_1166] : memref<4x4x512x512xf32, #tpu.memory_space<vmem>>, vector<1x1x512x512xf32>
    %get3A_1168 = vector.shape_cast %get3A_1167 : vector<1x1x512x512xf32> to vector<512x512xf32>
    %reduce_sum3A_1169 = arith.constant dense<0.000000e+00> : vector<512xf32>
    %reduce_sum3A_1170 = vector.multi_reduction <add>, %get3A_1168, %reduce_sum3A_1169 [0] : vector<512x512xf32> to vector<512xf32>
    %broadcast_in_dim3A_1171 = vector.shape_cast %reduce_sum3A_1170 : vector<512xf32> to vector<1x512xf32>
    %mul3A_1172 = arith.constant 0.001953125 : f32
    %mul3A_1173 = vector.broadcast %mul3A_1172 : f32 to vector<1x512xf32>
    %mul3A_1174 = arith.mulf %broadcast_in_dim3A_1171, %mul3A_1173 : vector<1x512xf32>
    %swap3A_1175 = arith.constant 52 : index
    %swap3A_1176 = arith.constant 0 : index
    %swap3A_1177 = vector.load %arg1[%swap3A_1175, %swap3A_1176] : memref<64x512xf32, #tpu.memory_space<vmem>>, vector<1x512xf32>
    tpu.vector_store %arg1[%swap3A_1175, %swap3A_1176], %mul3A_1174 {strides = array<i32>} : memref<64x512xf32, #tpu.memory_space<vmem>>, vector<1x512xf32>,
    %get3A_1178 = arith.constant 1 : index
    %get3A_1179 = arith.constant 1 : index
    %get3A_1180 = arith.constant 0 : index
    %get3A_1181 = arith.constant 0 : index
    %get3A_1182 = vector.load %arg2[%get3A_1178, %get3A_1179, %get3A_1180, %get3A_1181] : memref<4x4x512x512xf32, #tpu.memory_space<vmem>>, vector<1x1x512x512xf32>
    %get3A_1183 = vector.shape_cast %get3A_1182 : vector<1x1x512x512xf32> to vector<512x512xf32>
    %reduce_sum3A_1184 = arith.constant dense<0.000000e+00> : vector<512xf32>
    %reduce_sum3A_1185 = vector.multi_reduction <add>, %get3A_1183, %reduce_sum3A_1184 [0] : vector<512x512xf32> to vector<512xf32>
    %broadcast_in_dim3A_1186 = vector.shape_cast %reduce_sum3A_1185 : vector<512xf32> to vector<1x512xf32>
    %mul3A_1187 = arith.constant 0.001953125 : f32
    %mul3A_1188 = vector.broadcast %mul3A_1187 : f32 to vector<1x512xf32>
    %mul3A_1189 = arith.mulf %broadcast_in_dim3A_1186, %mul3A_1188 : vector<1x512xf32>
    %swap3A_1190 = arith.constant 53 : index
    %swap3A_1191 = arith.constant 0 : index
    %swap3A_1192 = vector.load %arg1[%swap3A_1190, %swap3A_1191] : memref<64x512xf32, #tpu.memory_space<vmem>>, vector<1x512xf32>
    tpu.vector_store %arg1[%swap3A_1190, %swap3A_1191], %mul3A_1189 {strides = array<i32>} : memref<64x512xf32, #tpu.memory_space<vmem>>, vector<1x512xf32>,
    %get3A_1193 = arith.constant 1 : index
    %get3A_1194 = arith.constant 2 : index
    %get3A_1195 = arith.constant 0 : index
    %get3A_1196 = arith.constant 0 : index
    %get3A_1197 = vector.load %arg2[%get3A_1193, %get3A_1194, %get3A_1195, %get3A_1196] : memref<4x4x512x512xf32, #tpu.memory_space<vmem>>, vector<1x1x512x512xf32>
    %get3A_1198 = vector.shape_cast %get3A_1197 : vector<1x1x512x512xf32> to vector<512x512xf32>
    %reduce_sum3A_1199 = arith.constant dense<0.000000e+00> : vector<512xf32>
    %reduce_sum3A_1200 = vector.multi_reduction <add>, %get3A_1198, %reduce_sum3A_1199 [0] : vector<512x512xf32> to vector<512xf32>
    %broadcast_in_dim3A_1201 = vector.shape_cast %reduce_sum3A_1200 : vector<512xf32> to vector<1x512xf32>
    %mul3A_1202 = arith.constant 0.001953125 : f32
    %mul3A_1203 = vector.broadcast %mul3A_1202 : f32 to vector<1x512xf32>
    %mul3A_1204 = arith.mulf %broadcast_in_dim3A_1201, %mul3A_1203 : vector<1x512xf32>
    %swap3A_1205 = arith.constant 54 : index
    %swap3A_1206 = arith.constant 0 : index
    %swap3A_1207 = vector.load %arg1[%swap3A_1205, %swap3A_1206] : memref<64x512xf32, #tpu.memory_space<vmem>>, vector<1x512xf32>
    tpu.vector_store %arg1[%swap3A_1205, %swap3A_1206], %mul3A_1204 {strides = array<i32>} : memref<64x512xf32, #tpu.memory_space<vmem>>, vector<1x512xf32>,
    %get3A_1208 = arith.constant 1 : index
    %get3A_1209 = arith.constant 3 : index
    %get3A_1210 = arith.constant 0 : index
    %get3A_1211 = arith.constant 0 : index
    %get3A_1212 = vector.load %arg2[%get3A_1208, %get3A_1209, %get3A_1210, %get3A_1211] : memref<4x4x512x512xf32, #tpu.memory_space<vmem>>, vector<1x1x512x512xf32>
    %get3A_1213 = vector.shape_cast %get3A_1212 : vector<1x1x512x512xf32> to vector<512x512xf32>
    %reduce_sum3A_1214 = arith.constant dense<0.000000e+00> : vector<512xf32>
    %reduce_sum3A_1215 = vector.multi_reduction <add>, %get3A_1213, %reduce_sum3A_1214 [0] : vector<512x512xf32> to vector<512xf32>
    %broadcast_in_dim3A_1216 = vector.shape_cast %reduce_sum3A_1215 : vector<512xf32> to vector<1x512xf32>
    %mul3A_1217 = arith.constant 0.001953125 : f32
    %mul3A_1218 = vector.broadcast %mul3A_1217 : f32 to vector<1x512xf32>
    %mul3A_1219 = arith.mulf %broadcast_in_dim3A_1216, %mul3A_1218 : vector<1x512xf32>
    %swap3A_1220 = arith.constant 55 : index
    %swap3A_1221 = arith.constant 0 : index
    %swap3A_1222 = vector.load %arg1[%swap3A_1220, %swap3A_1221] : memref<64x512xf32, #tpu.memory_space<vmem>>, vector<1x512xf32>
    tpu.vector_store %arg1[%swap3A_1220, %swap3A_1221], %mul3A_1219 {strides = array<i32>} : memref<64x512xf32, #tpu.memory_space<vmem>>, vector<1x512xf32>,
    %dma_wait3A_1223 = arith.constant 2 : i32
    %dma_wait3A_1224 = arith.constant 2 : i32
    %dma_wait3A_1225 = tpu.memref_slice %arg3[%dma_wait3A_1224] : memref<4x!tpu.dma_semaphore, #tpu.memory_space<semaphore_mem>> -> memref<1x!tpu.dma_semaphore, #tpu.memory_space<semaphore_mem>>
    %dma_wait3A_1226 = tpu.memref_squeeze %dma_wait3A_1225 : memref<1x!tpu.dma_semaphore, #tpu.memory_space<semaphore_mem>> -> memref<!tpu.dma_semaphore, #tpu.memory_space<semaphore_mem>>
    %dma_wait3A_1227 = arith.constant 0 : i32
    %dma_wait3A_1228 = arith.constant 0 : i32
    %dma_wait3A_1229 = arith.constant 0 : i32
    %dma_wait3A_1230 = tpu.memref_slice %arg2[%dma_wait3A_1223, %dma_wait3A_1227, %dma_wait3A_1228, %dma_wait3A_1229] : memref<4x4x512x512xf32, #tpu.memory_space<vmem>> -> memref<1x4x512x512xf32, #tpu.memory_space<vmem>>
    %dma_wait3A_1231 = tpu.memref_squeeze %dma_wait3A_1230 : memref<1x4x512x512xf32, #tpu.memory_space<vmem>> -> memref<4x512x512xf32, #tpu.memory_space<vmem>>
    %dma_wait3A_1232 = arith.constant 56 : i32
    %dma_wait3A_1233 = arith.constant 0 : i32
    %dma_wait3A_1234 = arith.constant 0 : i32
    %dma_wait3A_1235 = tpu.memref_slice %arg0[%dma_wait3A_1232, %dma_wait3A_1233, %dma_wait3A_1234] : memref<64x512x512xf32, #tpu.memory_space<any>> -> memref<4x512x512xf32, #tpu.memory_space<any>>
    tpu.wait_dma2 semaphore(%dma_wait3A_1226 : memref<!tpu.dma_semaphore, #tpu.memory_space<semaphore_mem>>) src(%dma_wait3A_1235 : memref<4x512x512xf32, #tpu.memory_space<any>>) dst(%dma_wait3A_1231 : memref<4x512x512xf32, #tpu.memory_space<vmem>>)
    %get3A_1236 = arith.constant 2 : index
    %get3A_1237 = arith.constant 0 : index
    %get3A_1238 = arith.constant 0 : index
    %get3A_1239 = arith.constant 0 : index
    %get3A_1240 = vector.load %arg2[%get3A_1236, %get3A_1237, %get3A_1238, %get3A_1239] : memref<4x4x512x512xf32, #tpu.memory_space<vmem>>, vector<1x1x512x512xf32>
    %get3A_1241 = vector.shape_cast %get3A_1240 : vector<1x1x512x512xf32> to vector<512x512xf32>
    %reduce_sum3A_1242 = arith.constant dense<0.000000e+00> : vector<512xf32>
    %reduce_sum3A_1243 = vector.multi_reduction <add>, %get3A_1241, %reduce_sum3A_1242 [0] : vector<512x512xf32> to vector<512xf32>
    %broadcast_in_dim3A_1244 = vector.shape_cast %reduce_sum3A_1243 : vector<512xf32> to vector<1x512xf32>
    %mul3A_1245 = arith.constant 0.001953125 : f32
    %mul3A_1246 = vector.broadcast %mul3A_1245 : f32 to vector<1x512xf32>
    %mul3A_1247 = arith.mulf %broadcast_in_dim3A_1244, %mul3A_1246 : vector<1x512xf32>
    %swap3A_1248 = arith.constant 56 : index
    %swap3A_1249 = arith.constant 0 : index
    %swap3A_1250 = vector.load %arg1[%swap3A_1248, %swap3A_1249] : memref<64x512xf32, #tpu.memory_space<vmem>>, vector<1x512xf32>
    tpu.vector_store %arg1[%swap3A_1248, %swap3A_1249], %mul3A_1247 {strides = array<i32>} : memref<64x512xf32, #tpu.memory_space<vmem>>, vector<1x512xf32>,
    %get3A_1251 = arith.constant 2 : index
    %get3A_1252 = arith.constant 1 : index
    %get3A_1253 = arith.constant 0 : index
    %get3A_1254 = arith.constant 0 : index
    %get3A_1255 = vector.load %arg2[%get3A_1251, %get3A_1252, %get3A_1253, %get3A_1254] : memref<4x4x512x512xf32, #tpu.memory_space<vmem>>, vector<1x1x512x512xf32>
    %get3A_1256 = vector.shape_cast %get3A_1255 : vector<1x1x512x512xf32> to vector<512x512xf32>
    %reduce_sum3A_1257 = arith.constant dense<0.000000e+00> : vector<512xf32>
    %reduce_sum3A_1258 = vector.multi_reduction <add>, %get3A_1256, %reduce_sum3A_1257 [0] : vector<512x512xf32> to vector<512xf32>
    %broadcast_in_dim3A_1259 = vector.shape_cast %reduce_sum3A_1258 : vector<512xf32> to vector<1x512xf32>
    %mul3A_1260 = arith.constant 0.001953125 : f32
    %mul3A_1261 = vector.broadcast %mul3A_1260 : f32 to vector<1x512xf32>
    %mul3A_1262 = arith.mulf %broadcast_in_dim3A_1259, %mul3A_1261 : vector<1x512xf32>
    %swap3A_1263 = arith.constant 57 : index
    %swap3A_1264 = arith.constant 0 : index
    %swap3A_1265 = vector.load %arg1[%swap3A_1263, %swap3A_1264] : memref<64x512xf32, #tpu.memory_space<vmem>>, vector<1x512xf32>
    tpu.vector_store %arg1[%swap3A_1263, %swap3A_1264], %mul3A_1262 {strides = array<i32>} : memref<64x512xf32, #tpu.memory_space<vmem>>, vector<1x512xf32>,
    %get3A_1266 = arith.constant 2 : index
    %get3A_1267 = arith.constant 2 : index
    %get3A_1268 = arith.constant 0 : index
    %get3A_1269 = arith.constant 0 : index
    %get3A_1270 = vector.load %arg2[%get3A_1266, %get3A_1267, %get3A_1268, %get3A_1269] : memref<4x4x512x512xf32, #tpu.memory_space<vmem>>, vector<1x1x512x512xf32>
    %get3A_1271 = vector.shape_cast %get3A_1270 : vector<1x1x512x512xf32> to vector<512x512xf32>
    %reduce_sum3A_1272 = arith.constant dense<0.000000e+00> : vector<512xf32>
    %reduce_sum3A_1273 = vector.multi_reduction <add>, %get3A_1271, %reduce_sum3A_1272 [0] : vector<512x512xf32> to vector<512xf32>
    %broadcast_in_dim3A_1274 = vector.shape_cast %reduce_sum3A_1273 : vector<512xf32> to vector<1x512xf32>
    %mul3A_1275 = arith.constant 0.001953125 : f32
    %mul3A_1276 = vector.broadcast %mul3A_1275 : f32 to vector<1x512xf32>
    %mul3A_1277 = arith.mulf %broadcast_in_dim3A_1274, %mul3A_1276 : vector<1x512xf32>
    %swap3A_1278 = arith.constant 58 : index
    %swap3A_1279 = arith.constant 0 : index
    %swap3A_1280 = vector.load %arg1[%swap3A_1278, %swap3A_1279] : memref<64x512xf32, #tpu.memory_space<vmem>>, vector<1x512xf32>
    tpu.vector_store %arg1[%swap3A_1278, %swap3A_1279], %mul3A_1277 {strides = array<i32>} : memref<64x512xf32, #tpu.memory_space<vmem>>, vector<1x512xf32>,
    %get3A_1281 = arith.constant 2 : index
    %get3A_1282 = arith.constant 3 : index
    %get3A_1283 = arith.constant 0 : index
    %get3A_1284 = arith.constant 0 : index
    %get3A_1285 = vector.load %arg2[%get3A_1281, %get3A_1282, %get3A_1283, %get3A_1284] : memref<4x4x512x512xf32, #tpu.memory_space<vmem>>, vector<1x1x512x512xf32>
    %get3A_1286 = vector.shape_cast %get3A_1285 : vector<1x1x512x512xf32> to vector<512x512xf32>
    %reduce_sum3A_1287 = arith.constant dense<0.000000e+00> : vector<512xf32>
    %reduce_sum3A_1288 = vector.multi_reduction <add>, %get3A_1286, %reduce_sum3A_1287 [0] : vector<512x512xf32> to vector<512xf32>
    %broadcast_in_dim3A_1289 = vector.shape_cast %reduce_sum3A_1288 : vector<512xf32> to vector<1x512xf32>
    %mul3A_1290 = arith.constant 0.001953125 : f32
    %mul3A_1291 = vector.broadcast %mul3A_1290 : f32 to vector<1x512xf32>
    %mul3A_1292 = arith.mulf %broadcast_in_dim3A_1289, %mul3A_1291 : vector<1x512xf32>
    %swap3A_1293 = arith.constant 59 : index
    %swap3A_1294 = arith.constant 0 : index
    %swap3A_1295 = vector.load %arg1[%swap3A_1293, %swap3A_1294] : memref<64x512xf32, #tpu.memory_space<vmem>>, vector<1x512xf32>
    tpu.vector_store %arg1[%swap3A_1293, %swap3A_1294], %mul3A_1292 {strides = array<i32>} : memref<64x512xf32, #tpu.memory_space<vmem>>, vector<1x512xf32>,
    %dma_wait3A_1296 = arith.constant 3 : i32
    %dma_wait3A_1297 = arith.constant 3 : i32
    %dma_wait3A_1298 = tpu.memref_slice %arg3[%dma_wait3A_1297] : memref<4x!tpu.dma_semaphore, #tpu.memory_space<semaphore_mem>> -> memref<1x!tpu.dma_semaphore, #tpu.memory_space<semaphore_mem>>
    %dma_wait3A_1299 = tpu.memref_squeeze %dma_wait3A_1298 : memref<1x!tpu.dma_semaphore, #tpu.memory_space<semaphore_mem>> -> memref<!tpu.dma_semaphore, #tpu.memory_space<semaphore_mem>>
    %dma_wait3A_1300 = arith.constant 0 : i32
    %dma_wait3A_1301 = arith.constant 0 : i32
    %dma_wait3A_1302 = arith.constant 0 : i32
    %dma_wait3A_1303 = tpu.memref_slice %arg2[%dma_wait3A_1296, %dma_wait3A_1300, %dma_wait3A_1301, %dma_wait3A_1302] : memref<4x4x512x512xf32, #tpu.memory_space<vmem>> -> memref<1x4x512x512xf32, #tpu.memory_space<vmem>>
    %dma_wait3A_1304 = tpu.memref_squeeze %dma_wait3A_1303 : memref<1x4x512x512xf32, #tpu.memory_space<vmem>> -> memref<4x512x512xf32, #tpu.memory_space<vmem>>
    %dma_wait3A_1305 = arith.constant 60 : i32
    %dma_wait3A_1306 = arith.constant 0 : i32
    %dma_wait3A_1307 = arith.constant 0 : i32
    %dma_wait3A_1308 = tpu.memref_slice %arg0[%dma_wait3A_1305, %dma_wait3A_1306, %dma_wait3A_1307] : memref<64x512x512xf32, #tpu.memory_space<any>> -> memref<4x512x512xf32, #tpu.memory_space<any>>
    tpu.wait_dma2 semaphore(%dma_wait3A_1299 : memref<!tpu.dma_semaphore, #tpu.memory_space<semaphore_mem>>) src(%dma_wait3A_1308 : memref<4x512x512xf32, #tpu.memory_space<any>>) dst(%dma_wait3A_1304 : memref<4x512x512xf32, #tpu.memory_space<vmem>>)
    %get3A_1309 = arith.constant 3 : index
    %get3A_1310 = arith.constant 0 : index
    %get3A_1311 = arith.constant 0 : index
    %get3A_1312 = arith.constant 0 : index
    %get3A_1313 = vector.load %arg2[%get3A_1309, %get3A_1310, %get3A_1311, %get3A_1312] : memref<4x4x512x512xf32, #tpu.memory_space<vmem>>, vector<1x1x512x512xf32>
    %get3A_1314 = vector.shape_cast %get3A_1313 : vector<1x1x512x512xf32> to vector<512x512xf32>
    %reduce_sum3A_1315 = arith.constant dense<0.000000e+00> : vector<512xf32>
    %reduce_sum3A_1316 = vector.multi_reduction <add>, %get3A_1314, %reduce_sum3A_1315 [0] : vector<512x512xf32> to vector<512xf32>
    %broadcast_in_dim3A_1317 = vector.shape_cast %reduce_sum3A_1316 : vector<512xf32> to vector<1x512xf32>
    %mul3A_1318 = arith.constant 0.001953125 : f32
    %mul3A_1319 = vector.broadcast %mul3A_1318 : f32 to vector<1x512xf32>
    %mul3A_1320 = arith.mulf %broadcast_in_dim3A_1317, %mul3A_1319 : vector<1x512xf32>
    %swap3A_1321 = arith.constant 60 : index
    %swap3A_1322 = arith.constant 0 : index
    %swap3A_1323 = vector.load %arg1[%swap3A_1321, %swap3A_1322] : memref<64x512xf32, #tpu.memory_space<vmem>>, vector<1x512xf32>
    tpu.vector_store %arg1[%swap3A_1321, %swap3A_1322], %mul3A_1320 {strides = array<i32>} : memref<64x512xf32, #tpu.memory_space<vmem>>, vector<1x512xf32>,
    %get3A_1324 = arith.constant 3 : index
    %get3A_1325 = arith.constant 1 : index
    %get3A_1326 = arith.constant 0 : index
    %get3A_1327 = arith.constant 0 : index
    %get3A_1328 = vector.load %arg2[%get3A_1324, %get3A_1325, %get3A_1326, %get3A_1327] : memref<4x4x512x512xf32, #tpu.memory_space<vmem>>, vector<1x1x512x512xf32>
    %get3A_1329 = vector.shape_cast %get3A_1328 : vector<1x1x512x512xf32> to vector<512x512xf32>
    %reduce_sum3A_1330 = arith.constant dense<0.000000e+00> : vector<512xf32>
    %reduce_sum3A_1331 = vector.multi_reduction <add>, %get3A_1329, %reduce_sum3A_1330 [0] : vector<512x512xf32> to vector<512xf32>
    %broadcast_in_dim3A_1332 = vector.shape_cast %reduce_sum3A_1331 : vector<512xf32> to vector<1x512xf32>
    %mul3A_1333 = arith.constant 0.001953125 : f32
    %mul3A_1334 = vector.broadcast %mul3A_1333 : f32 to vector<1x512xf32>
    %mul3A_1335 = arith.mulf %broadcast_in_dim3A_1332, %mul3A_1334 : vector<1x512xf32>
    %swap3A_1336 = arith.constant 61 : index
    %swap3A_1337 = arith.constant 0 : index
    %swap3A_1338 = vector.load %arg1[%swap3A_1336, %swap3A_1337] : memref<64x512xf32, #tpu.memory_space<vmem>>, vector<1x512xf32>
    tpu.vector_store %arg1[%swap3A_1336, %swap3A_1337], %mul3A_1335 {strides = array<i32>} : memref<64x512xf32, #tpu.memory_space<vmem>>, vector<1x512xf32>,
    %get3A_1339 = arith.constant 3 : index
    %get3A_1340 = arith.constant 2 : index
    %get3A_1341 = arith.constant 0 : index
    %get3A_1342 = arith.constant 0 : index
    %get3A_1343 = vector.load %arg2[%get3A_1339, %get3A_1340, %get3A_1341, %get3A_1342] : memref<4x4x512x512xf32, #tpu.memory_space<vmem>>, vector<1x1x512x512xf32>
    %get3A_1344 = vector.shape_cast %get3A_1343 : vector<1x1x512x512xf32> to vector<512x512xf32>
    %reduce_sum3A_1345 = arith.constant dense<0.000000e+00> : vector<512xf32>
    %reduce_sum3A_1346 = vector.multi_reduction <add>, %get3A_1344, %reduce_sum3A_1345 [0] : vector<512x512xf32> to vector<512xf32>
    %broadcast_in_dim3A_1347 = vector.shape_cast %reduce_sum3A_1346 : vector<512xf32> to vector<1x512xf32>
    %mul3A_1348 = arith.constant 0.001953125 : f32
    %mul3A_1349 = vector.broadcast %mul3A_1348 : f32 to vector<1x512xf32>
    %mul3A_1350 = arith.mulf %broadcast_in_dim3A_1347, %mul3A_1349 : vector<1x512xf32>
    %swap3A_1351 = arith.constant 62 : index
    %swap3A_1352 = arith.constant 0 : index
    %swap3A_1353 = vector.load %arg1[%swap3A_1351, %swap3A_1352] : memref<64x512xf32, #tpu.memory_space<vmem>>, vector<1x512xf32>
    tpu.vector_store %arg1[%swap3A_1351, %swap3A_1352], %mul3A_1350 {strides = array<i32>} : memref<64x512xf32, #tpu.memory_space<vmem>>, vector<1x512xf32>,
    %get3A_1354 = arith.constant 3 : index
    %get3A_1355 = arith.constant 3 : index
    %get3A_1356 = arith.constant 0 : index
    %get3A_1357 = arith.constant 0 : index
    %get3A_1358 = vector.load %arg2[%get3A_1354, %get3A_1355, %get3A_1356, %get3A_1357] : memref<4x4x512x512xf32, #tpu.memory_space<vmem>>, vector<1x1x512x512xf32>
    %get3A_1359 = vector.shape_cast %get3A_1358 : vector<1x1x512x512xf32> to vector<512x512xf32>
    %reduce_sum3A_1360 = arith.constant dense<0.000000e+00> : vector<512xf32>
    %reduce_sum3A_1361 = vector.multi_reduction <add>, %get3A_1359, %reduce_sum3A_1360 [0] : vector<512x512xf32> to vector<512xf32>
    %broadcast_in_dim3A_1362 = vector.shape_cast %reduce_sum3A_1361 : vector<512xf32> to vector<1x512xf32>
    %mul3A_1363 = arith.constant 0.001953125 : f32
    %mul3A_1364 = vector.broadcast %mul3A_1363 : f32 to vector<1x512xf32>
    %mul3A_1365 = arith.mulf %broadcast_in_dim3A_1362, %mul3A_1364 : vector<1x512xf32>
    %swap3A_1366 = arith.constant 63 : index
    %swap3A_1367 = arith.constant 0 : index
    %swap3A_1368 = vector.load %arg1[%swap3A_1366, %swap3A_1367] : memref<64x512xf32, #tpu.memory_space<vmem>>, vector<1x512xf32>
    tpu.vector_store %arg1[%swap3A_1366, %swap3A_1367], %mul3A_1365 {strides = array<i32>} : memref<64x512xf32, #tpu.memory_space<vmem>>, vector<1x512xf32>,
    return
  }
}

module attributes {stable_mosaic.version = 14 : i64} {
  func.func @_tail_body(%arg0: memref<64x512xf32, #tpu.memory_space<vmem>>, %arg1: memref<64x512xf32, #tpu.memory_space<vmem>>, %arg2: memref<64x512xf32, #tpu.memory_space<vmem>>, %arg3: memref<154x512xf32, #tpu.memory_space<vmem>>, %arg4: memref<154x512xf32, #tpu.memory_space<vmem>>, %arg5: memref<512x1000xf32, #tpu.memory_space<vmem>>, %arg6: memref<1000x200xf32, #tpu.memory_space<vmem>>, %arg7: memref<200x1xf32, #tpu.memory_space<vmem>>, %arg8: memref<32x16xf32, #tpu.memory_space<vmem>>, %arg9: memref<1x1xf32, #tpu.memory_space<vmem>>, %arg10: memref<1x1xf32, #tpu.memory_space<vmem>>, %arg11: memref<1x1xf32, #tpu.memory_space<vmem>>) attributes {dimension_semantics = [], scalar_prefetch = 0 : i64, scratch_operands = 0 : i64, tpu.core_type = #tpu.core_type<tc>} {
    %get3A = arith.constant 0 : index
    %get3A_0 = arith.constant 0 : index
    %get3A_1 = vector.load %arg0[%get3A, %get3A_0] : memref<64x512xf32, #tpu.memory_space<vmem>>, vector<64x512xf32>
    %get3A_2 = arith.constant 0 : index
    %get3A_3 = arith.constant 0 : index
    %get3A_4 = vector.load %arg1[%get3A_2, %get3A_3] : memref<64x512xf32, #tpu.memory_space<vmem>>, vector<64x512xf32>
    %get3A_5 = arith.constant 0 : index
    %get3A_6 = arith.constant 0 : index
    %get3A_7 = vector.load %arg2[%get3A_5, %get3A_6] : memref<64x512xf32, #tpu.memory_space<vmem>>, vector<64x512xf32>
    %mul3A = arith.mulf %get3A_1, %get3A_1 : vector<64x512xf32>
    %reduce_sum3A = arith.constant dense<0.000000e+00> : vector<64xf32>
    %reduce_sum3A_8 = vector.multi_reduction <add>, %mul3A, %reduce_sum3A [1] : vector<64x512xf32> to vector<64xf32>
    %broadcast_in_dim3A = vector.shape_cast %reduce_sum3A_8 : vector<64xf32> to vector<64x1xf32>
    %sqrt3A = math.sqrt %broadcast_in_dim3A : vector<64x1xf32>
    %max3A = arith.constant 9.99999993E-9 : f32
    %max3A_9 = vector.broadcast %max3A : f32 to vector<64x1xf32>
    %max3A_10 = arith.maximumf %sqrt3A, %max3A_9 : vector<64x1xf32>
    %mul3A_11 = arith.mulf %get3A_1, %get3A_4 : vector<64x512xf32>
    %reduce_sum3A_12 = arith.constant dense<0.000000e+00> : vector<64xf32>
    %reduce_sum3A_13 = vector.multi_reduction <add>, %mul3A_11, %reduce_sum3A_12 [1] : vector<64x512xf32> to vector<64xf32>
    %broadcast_in_dim3A_14 = vector.shape_cast %reduce_sum3A_13 : vector<64xf32> to vector<64x1xf32>
    %mul3A_15 = arith.mulf %get3A_4, %get3A_4 : vector<64x512xf32>
    %reduce_sum3A_16 = arith.constant dense<0.000000e+00> : vector<64xf32>
    %reduce_sum3A_17 = vector.multi_reduction <add>, %mul3A_15, %reduce_sum3A_16 [1] : vector<64x512xf32> to vector<64xf32>
    %broadcast_in_dim3A_18 = vector.shape_cast %reduce_sum3A_17 : vector<64xf32> to vector<64x1xf32>
    %sqrt3A_19 = math.sqrt %broadcast_in_dim3A_18 : vector<64x1xf32>
    %max3A_20 = arith.constant 9.99999993E-9 : f32
    %max3A_21 = vector.broadcast %max3A_20 : f32 to vector<64x1xf32>
    %max3A_22 = arith.maximumf %sqrt3A_19, %max3A_21 : vector<64x1xf32>
    %mul3A_23 = arith.mulf %max3A_10, %max3A_22 : vector<64x1xf32>
    %div3A = arith.divf %broadcast_in_dim3A_14, %mul3A_23 : vector<64x1xf32>
    %mul3A_24 = arith.mulf %get3A_1, %get3A_7 : vector<64x512xf32>
    %reduce_sum3A_25 = arith.constant dense<0.000000e+00> : vector<64xf32>
    %reduce_sum3A_26 = vector.multi_reduction <add>, %mul3A_24, %reduce_sum3A_25 [1] : vector<64x512xf32> to vector<64xf32>
    %broadcast_in_dim3A_27 = vector.shape_cast %reduce_sum3A_26 : vector<64xf32> to vector<64x1xf32>
    %mul3A_28 = arith.mulf %get3A_7, %get3A_7 : vector<64x512xf32>
    %reduce_sum3A_29 = arith.constant dense<0.000000e+00> : vector<64xf32>
    %reduce_sum3A_30 = vector.multi_reduction <add>, %mul3A_28, %reduce_sum3A_29 [1] : vector<64x512xf32> to vector<64xf32>
    %broadcast_in_dim3A_31 = vector.shape_cast %reduce_sum3A_30 : vector<64xf32> to vector<64x1xf32>
    %sqrt3A_32 = math.sqrt %broadcast_in_dim3A_31 : vector<64x1xf32>
    %max3A_33 = arith.constant 9.99999993E-9 : f32
    %max3A_34 = vector.broadcast %max3A_33 : f32 to vector<64x1xf32>
    %max3A_35 = arith.maximumf %sqrt3A_32, %max3A_34 : vector<64x1xf32>
    %mul3A_36 = arith.mulf %max3A_10, %max3A_35 : vector<64x1xf32>
    %div3A_37 = arith.divf %broadcast_in_dim3A_27, %mul3A_36 : vector<64x1xf32>
    %sub3A = arith.subf %div3A_37, %div3A : vector<64x1xf32>
    %reduce_sum3A_38 = vector.shape_cast %sub3A : vector<64x1xf32> to vector<1x64x1xf32>
    %reduce_sum3A_39 = arith.constant dense<0.000000e+00> : vector<1xf32>
    %reduce_sum3A_40 = vector.multi_reduction <add>, %reduce_sum3A_38, %reduce_sum3A_39 [1, 2] : vector<1x64x1xf32> to vector<1xf32>
    %reduce_sum3A_41 = vector.shape_cast %reduce_sum3A_40 : vector<1xf32> to vector<1x1x1xf32>
    %reduce_sum3A_42 = vector.extract %reduce_sum3A_41[0, 0, 0] : f32 from vector<1x1x1xf32>
    %mul3A_43 = arith.constant 1.562500e-02 : f32
    %mul3A_44 = arith.mulf %reduce_sum3A_42, %mul3A_43 : f32
    %reshape3A = vector.broadcast %mul3A_44 : f32 to vector<1x1xf32>
    %swap3A = arith.constant 0 : index
    %swap3A_45 = arith.constant 0 : index
    %swap3A_46 = vector.load %arg9[%swap3A, %swap3A_45] : memref<1x1xf32, #tpu.memory_space<vmem>>, vector<1x1xf32>
    tpu.vector_store %arg9[%swap3A, %swap3A_45], %reshape3A {strides = array<i32>} : memref<1x1xf32, #tpu.memory_space<vmem>>, vector<1x1xf32>,
    %get3A_47 = arith.constant 0 : index
    %get3A_48 = arith.constant 0 : index
    %get3A_49 = vector.load %arg3[%get3A_47, %get3A_48] : memref<154x512xf32, #tpu.memory_space<vmem>>, vector<154x512xf32>
    %get3A_50 = arith.constant 0 : index
    %get3A_51 = arith.constant 0 : index
    %get3A_52 = vector.load %arg5[%get3A_50, %get3A_51] : memref<512x1000xf32, #tpu.memory_space<vmem>>, vector<512x1000xf32>
    %dot_general3A = arith.constant dense<0.000000e+00> : vector<154x1000xf32>
    %dot_general3A_53 = tpu.matmul %get3A_49, %get3A_52, %dot_general3A {dimension_numbers = #tpu.dot_dimension_numbers<[1], [0], [0], [1], [0, 0, 1, 1], [], []>, transpose_lhs_hint = false} : vector<154x512xf32>, vector<512x1000xf32>, vector<154x1000xf32> -> vector<154x1000xf32>
    %max3A_54 = arith.constant 0.000000e+00 : f32
    %max3A_55 = vector.broadcast %max3A_54 : f32 to vector<154x1000xf32>
    %max3A_56 = arith.maximumf %dot_general3A_53, %max3A_55 : vector<154x1000xf32>
    %get3A_57 = arith.constant 0 : index
    %get3A_58 = arith.constant 0 : index
    %get3A_59 = vector.load %arg6[%get3A_57, %get3A_58] : memref<1000x200xf32, #tpu.memory_space<vmem>>, vector<1000x200xf32>
    %dot_general3A_60 = arith.constant dense<0.000000e+00> : vector<154x200xf32>
    %dot_general3A_61 = tpu.matmul %max3A_56, %get3A_59, %dot_general3A_60 {dimension_numbers = #tpu.dot_dimension_numbers<[1], [0], [0], [1], [0, 0, 1, 1], [], []>, transpose_lhs_hint = false} : vector<154x1000xf32>, vector<1000x200xf32>, vector<154x200xf32> -> vector<154x200xf32>
    %max3A_62 = arith.constant 0.000000e+00 : f32
    %max3A_63 = vector.broadcast %max3A_62 : f32 to vector<154x200xf32>
    %max3A_64 = arith.maximumf %dot_general3A_61, %max3A_63 : vector<154x200xf32>
    %get3A_65 = arith.constant 0 : index
    %get3A_66 = arith.constant 0 : index
    %get3A_67 = vector.load %arg7[%get3A_65, %get3A_66] : memref<200x1xf32, #tpu.memory_space<vmem>>, vector<200x1xf32>
    %dot_general3A_68 = arith.constant dense<0.000000e+00> : vector<154x1xf32>
    %dot_general3A_69 = tpu.matmul %max3A_64, %get3A_67, %dot_general3A_68 {dimension_numbers = #tpu.dot_dimension_numbers<[1], [0], [0], [1], [0, 0, 1, 1], [], []>, transpose_lhs_hint = false} : vector<154x200xf32>, vector<200x1xf32>, vector<154x1xf32> -> vector<154x1xf32>
    %get3A_70 = arith.constant 0 : index
    %get3A_71 = arith.constant 0 : index
    %get3A_72 = vector.load %arg4[%get3A_70, %get3A_71] : memref<154x512xf32, #tpu.memory_space<vmem>>, vector<154x512xf32>
    %get3A_73 = arith.constant 0 : index
    %get3A_74 = arith.constant 0 : index
    %get3A_75 = vector.load %arg5[%get3A_73, %get3A_74] : memref<512x1000xf32, #tpu.memory_space<vmem>>, vector<512x1000xf32>
    %dot_general3A_76 = arith.constant dense<0.000000e+00> : vector<154x1000xf32>
    %dot_general3A_77 = tpu.matmul %get3A_72, %get3A_75, %dot_general3A_76 {dimension_numbers = #tpu.dot_dimension_numbers<[1], [0], [0], [1], [0, 0, 1, 1], [], []>, transpose_lhs_hint = false} : vector<154x512xf32>, vector<512x1000xf32>, vector<154x1000xf32> -> vector<154x1000xf32>
    %max3A_78 = arith.constant 0.000000e+00 : f32
    %max3A_79 = vector.broadcast %max3A_78 : f32 to vector<154x1000xf32>
    %max3A_80 = arith.maximumf %dot_general3A_77, %max3A_79 : vector<154x1000xf32>
    %get3A_81 = arith.constant 0 : index
    %get3A_82 = arith.constant 0 : index
    %get3A_83 = vector.load %arg6[%get3A_81, %get3A_82] : memref<1000x200xf32, #tpu.memory_space<vmem>>, vector<1000x200xf32>
    %dot_general3A_84 = arith.constant dense<0.000000e+00> : vector<154x200xf32>
    %dot_general3A_85 = tpu.matmul %max3A_80, %get3A_83, %dot_general3A_84 {dimension_numbers = #tpu.dot_dimension_numbers<[1], [0], [0], [1], [0, 0, 1, 1], [], []>, transpose_lhs_hint = false} : vector<154x1000xf32>, vector<1000x200xf32>, vector<154x200xf32> -> vector<154x200xf32>
    %max3A_86 = arith.constant 0.000000e+00 : f32
    %max3A_87 = vector.broadcast %max3A_86 : f32 to vector<154x200xf32>
    %max3A_88 = arith.maximumf %dot_general3A_85, %max3A_87 : vector<154x200xf32>
    %get3A_89 = arith.constant 0 : index
    %get3A_90 = arith.constant 0 : index
    %get3A_91 = vector.load %arg7[%get3A_89, %get3A_90] : memref<200x1xf32, #tpu.memory_space<vmem>>, vector<200x1xf32>
    %dot_general3A_92 = arith.constant dense<0.000000e+00> : vector<154x1xf32>
    %dot_general3A_93 = tpu.matmul %max3A_88, %get3A_91, %dot_general3A_92 {dimension_numbers = #tpu.dot_dimension_numbers<[1], [0], [0], [1], [0, 0, 1, 1], [], []>, transpose_lhs_hint = false} : vector<154x200xf32>, vector<200x1xf32>, vector<154x1xf32> -> vector<154x1xf32>
    %neg3A = arith.constant 0.000000e+00 : f32
    %neg3A_94 = vector.broadcast %neg3A : f32 to vector<154x1xf32>
    %neg3A_95 = arith.subf %neg3A_94, %dot_general3A_69 : vector<154x1xf32>
    %exp3A = math.exp %neg3A_95 : vector<154x1xf32>
    %add3A = arith.constant 1.000000e+00 : f32
    %add3A_96 = vector.broadcast %add3A : f32 to vector<154x1xf32>
    %add3A_97 = arith.addf %add3A_96, %exp3A : vector<154x1xf32>
    %div3A_98 = arith.constant 1.000000e+00 : f32
    %div3A_99 = vector.broadcast %div3A_98 : f32 to vector<154x1xf32>
    %div3A_100 = arith.divf %div3A_99, %add3A_97 : vector<154x1xf32>
    %neg3A_101 = arith.constant 0.000000e+00 : f32
    %neg3A_102 = vector.broadcast %neg3A_101 : f32 to vector<154x1xf32>
    %neg3A_103 = arith.subf %neg3A_102, %dot_general3A_93 : vector<154x1xf32>
    %exp3A_104 = math.exp %neg3A_103 : vector<154x1xf32>
    %add3A_105 = arith.constant 1.000000e+00 : f32
    %add3A_106 = vector.broadcast %add3A_105 : f32 to vector<154x1xf32>
    %add3A_107 = arith.addf %add3A_106, %exp3A_104 : vector<154x1xf32>
    %div3A_108 = arith.constant 1.000000e+00 : f32
    %div3A_109 = vector.broadcast %div3A_108 : f32 to vector<154x1xf32>
    %div3A_110 = arith.divf %div3A_109, %add3A_107 : vector<154x1xf32>
    %log3A = math.log %div3A_100 : vector<154x1xf32>
    %sub3A_111 = arith.constant 1.000000e+00 : f32
    %sub3A_112 = vector.broadcast %sub3A_111 : f32 to vector<154x1xf32>
    %sub3A_113 = arith.subf %sub3A_112, %div3A_110 : vector<154x1xf32>
    %log3A_114 = math.log %sub3A_113 : vector<154x1xf32>
    %add3A_115 = arith.addf %log3A, %log3A_114 : vector<154x1xf32>
    %neg3A_116 = arith.constant 0.000000e+00 : f32
    %neg3A_117 = vector.broadcast %neg3A_116 : f32 to vector<154x1xf32>
    %neg3A_118 = arith.subf %neg3A_117, %add3A_115 : vector<154x1xf32>
    %reduce_sum3A_119 = vector.shape_cast %neg3A_118 : vector<154x1xf32> to vector<1x154x1xf32>
    %reduce_sum3A_120 = arith.constant dense<0.000000e+00> : vector<1xf32>
    %reduce_sum3A_121 = vector.multi_reduction <add>, %reduce_sum3A_119, %reduce_sum3A_120 [1, 2] : vector<1x154x1xf32> to vector<1xf32>
    %reduce_sum3A_122 = vector.shape_cast %reduce_sum3A_121 : vector<1xf32> to vector<1x1x1xf32>
    %reduce_sum3A_123 = vector.extract %reduce_sum3A_122[0, 0, 0] : f32 from vector<1x1x1xf32>
    %mul3A_124 = arith.constant 0.00649350649 : f32
    %mul3A_125 = arith.mulf %reduce_sum3A_123, %mul3A_124 : f32
    %reshape3A_126 = vector.broadcast %mul3A_125 : f32 to vector<1x1xf32>
    %swap3A_127 = arith.constant 0 : index
    %swap3A_128 = arith.constant 0 : index
    %swap3A_129 = vector.load %arg10[%swap3A_127, %swap3A_128] : memref<1x1xf32, #tpu.memory_space<vmem>>, vector<1x1xf32>
    tpu.vector_store %arg10[%swap3A_127, %swap3A_128], %reshape3A_126 {strides = array<i32>} : memref<1x1xf32, #tpu.memory_space<vmem>>, vector<1x1xf32>,
    %get3A_130 = arith.constant 0 : index
    %get3A_131 = arith.constant 0 : index
    %get3A_132 = vector.load %arg8[%get3A_130, %get3A_131] : memref<32x16xf32, #tpu.memory_space<vmem>>, vector<32x16xf32>
    %reduce_sum3A_133 = vector.shape_cast %get3A_132 : vector<32x16xf32> to vector<1x32x16xf32>
    %reduce_sum3A_134 = arith.constant dense<0.000000e+00> : vector<1xf32>
    %reduce_sum3A_135 = vector.multi_reduction <add>, %reduce_sum3A_133, %reduce_sum3A_134 [1, 2] : vector<1x32x16xf32> to vector<1xf32>
    %reduce_sum3A_136 = vector.shape_cast %reduce_sum3A_135 : vector<1xf32> to vector<1x1x1xf32>
    %reduce_sum3A_137 = vector.extract %reduce_sum3A_136[0, 0, 0] : f32 from vector<1x1x1xf32>
    %reshape3A_138 = vector.broadcast %reduce_sum3A_137 : f32 to vector<1x1xf32>
    %neg3A_139 = arith.constant 0.000000e+00 : f32
    %neg3A_140 = vector.broadcast %neg3A_139 : f32 to vector<1x1xf32>
    %neg3A_141 = arith.subf %neg3A_140, %reshape3A_138 : vector<1x1xf32>
    %exp3A_142 = math.exp %neg3A_141 : vector<1x1xf32>
    %add3A_143 = arith.constant 1.000000e+00 : f32
    %add3A_144 = vector.broadcast %add3A_143 : f32 to vector<1x1xf32>
    %add3A_145 = arith.addf %add3A_144, %exp3A_142 : vector<1x1xf32>
    %div3A_146 = arith.constant 1.000000e+00 : f32
    %div3A_147 = vector.broadcast %div3A_146 : f32 to vector<1x1xf32>
    %div3A_148 = arith.divf %div3A_147, %add3A_145 : vector<1x1xf32>
    %swap3A_149 = arith.constant 0 : index
    %swap3A_150 = arith.constant 0 : index
    %swap3A_151 = vector.load %arg11[%swap3A_149, %swap3A_150] : memref<1x1xf32, #tpu.memory_space<vmem>>, vector<1x1xf32>
    tpu.vector_store %arg11[%swap3A_149, %swap3A_150], %div3A_148 {strides = array<i32>} : memref<1x1xf32, #tpu.memory_space<vmem>>, vector<1x1xf32>,
    return
  }
}

</mosaic_0001>

<sc_bundles>
// kernel: kernel.5.cloned.1.call-start
scs
__scs_entry_jumppad:
0x0: {  	(pc) =	sbr.rel $0x88, $3  }
0x1: {  	(tag) =	ssettag $0x0;
	lr =	simm.s32 $0x1  }
0x2: {  	[smem:$0x3F97] =	sst lr;
	_ =	strace $0xD0000000  }
0x3: {  	_ = 	snop  }
0x4: {  	_ = 	snop  }
0x5: {  	_ = 	snop  }
0x6: {  	_ = 	snop  }
0x7: {  	_ = 	snop  }
__scs_overlays_trampoline_lowered:
0x8: {  	[smem:$0x3FA6] =	sst s0  }
0x9: {  	[smem:$0x3FA7] =	sst s1  }
0xa: {  	[smem:$0x3FA8] =	sst s2  }
0xb: {  	[smem:$0x3FA9] =	sst s3  }
0xc: {  	[smem:$0x3FAA] =	sst s4  }
0xd: {  	[smem:$0x3FAB] =	sst s5  }
0xe: {  	[smem:$0x3FAC] =	sst s6  }
0xf: {  	[smem:$0x3FAD] =	sst s7  }
0x10: {  	[smem:$0x3FAE] =	sst s8  }
0x11: {  	[smem:$0x3FAF] =	sst s9;
	s0 =	simm.s32 @!p0 $0x0  }
0x12: {  	s1 =	sld [smem:$0x3F95];
	s0 =	simm.s32 @p0 $0x1  }
0x13: {  	[smem:$0x3FB0] =	sst s0;
	s0 =	simm.s32 @!p1 $0x0  }
0x14: {  	s2 =	sld [smem:$0x3F94];
	s0 =	simm.s32 @p1 $0x1  }
0x15: {  	[smem:$0x3FB1] =	sst s0;
	s0 =	simm.s32 @!p2 $0x0  }
0x16: {  	s3 =	sld [smem:$0x3FDB];
	s0 =	simm.s32 @p2 $0x1  }
0x17: {  	s4 =	simm.s32 $0x1BF5;
	[smem:$0x3FB3] =	sst s0  }
0x18: {  	s0 =	sld [smem:$0x3F96];
	_ =	swait.ge [sflag:s4], $0x0  }
0x19: {  	s7 =	sld [smem:$0x3F97]  }
0x1a: {  	s8 =	sadd.s32 $0xFFFFE003, lr  }
0x1b: {  	s9 =	sadd.s32 $0xFFFFFEF7, lr;
	s5 =	simm.s32 $0xFFFFFFFF;
	p2 =	slt.u32 s8, $0xFFFFF086  }
0x1c: {  	p1 =	slt.u32 s9, $0xF7A;
	s5 =	simm.s32 @!p2 $0x0  }
0x1d: {  	s5 =	simm.s32 @p1 $0x1;
	p0 =	seq.s32 s7, s2  }
0x1e: {  	s7 =	smul.u32 @!p0 $0xF7A, s2;
	p2 =	seq.s32 @!p0 s5, $0x0  }
0x1f: {  	s9 =	smul.u32 $0xF7A, s1;
	s8 =	simm.s32 @!p0 $0x1BF5;
	p2 =	por !p2, p0  }
0x20: {  	[sflag:s8] =	ssyncset.s32 @!p0 $0xFFFFF086;
	s6 =	sadd.s32 @!p0 s3, s7;
	s7 =	simm.s32 @!p0 $0x108  }
0x21: {  	s3 =	sadd.s32 s3, s9;
	s6 =	sadd.s32 @!p0 $0x88, s6;
	s7 =	simm.s32 @p2 $0x1082  }
0x22: {  	[simem:s7], [sflag:s8] =	dma.local @!p0 [hbm:s6], $0xF7A  }
0x23: {  	s9 =	sor.u32 $0xD0000000, s2;
	s6 =	simm.s32 $0x108;
	_ =	swait.ge @!p0 [sflag:s8], $0x0  }
0x24: {  	s3 =	sadd.s32 $0x88, s3;
	s6 =	simm.s32 @!p1 $0x1082;
	[sflag:s4] =	ssyncset.s32 $0xFFFFF086  }
0x25: {  	[simem:s6], [sflag:s4] =	dma.local [hbm:s3], $0xF7A  }
0x26: {  	[smem:$0x3F97] =	sst s1;
	(tag) =	ssettag s2;
	_ =	strace s9  }
0x27: {  	s1 =	sld [smem:$0x3FA7]  }
0x28: {  	s2 =	sld [smem:$0x3FA8]  }
0x29: {  	s4 =	sld [smem:$0x3FAA]  }
0x2a: {  	p0 =	seq.s32 s5, $0x0;
	s5 =	sld [smem:$0x3FAB]  }
0x2b: {  	s6 =	sld [smem:$0x3FAC]  }
0x2c: {  	s7 =	sld [smem:$0x3FAD]  }
0x2d: {  	s3 =	simm.s32 $0x108;
	s8 =	sld [smem:$0x3FAE]  }
0x2e: {  	s3 =	simm.s32 @!p0 $0x1082;
	s9 =	sld [smem:$0x3FAF]  }
0x2f: {  	lr =	sadd.s32 s0, s3;
	s0 =	sld [smem:$0x3FA6]  }
0x30: {  	s3 =	sld [smem:$0x3FA9]  }
0x31: {  	[smem:$0x3FB2] =	sst s10  }
0x32: {  	s10 =	sld [smem:$0x3FB0];
	_ =	sdelay $0x3  }
0x33: {  	p0 =	seq.s32 s10, $0x1;
	s10 =	sld [smem:$0x3FB2];
	_ =	sdelay $0x3  }
0x34: {  	[smem:$0x3FB2] =	sst s10  }
0x35: {  	s10 =	sld [smem:$0x3FB1];
	_ =	sdelay $0x3  }
0x36: {  	p1 =	seq.s32 s10, $0x1;
	s10 =	sld [smem:$0x3FB2];
	_ =	sdelay $0x3  }
0x37: {  	[smem:$0x3FB2] =	sst s10  }
0x38: {  	s10 =	sld [smem:$0x3FB3]  }
0x39: {  	_ = 	snop;
	(pc) =	sbr.ind lr, $3  }
0x3a: {  	_ = 	snop  }
0x3b: {  	_ = 	snop  }
0x3c: {  	p2 =	seq.s32 s10, $0x1;
	s10 =	sld [smem:$0x3FB2]  }
0x3d: {  	_ =	shalt  }
0x3e: {  	_ =	shalt  }
0x3f: {  	_ =	shalt  }
0x40: {  	_ =	shalt  }
0x41: {  	_ =	shalt  }
0x42: {  	_ =	shalt  }
0x43: {  	_ =	shalt  }
0x44: {  	_ =	shalt  }
0x45: {  	_ =	shalt  }
0x46: {  	_ =	shalt  }
0x47: {  	_ =	shalt  }
0x48: {  	_ =	shalt  }
0x49: {  	_ =	shalt  }
0x4a: {  	_ =	shalt  }
0x4b: {  	_ =	shalt  }
0x4c: {  	_ =	shalt  }
0x4d: {  	_ =	shalt  }
0x4e: {  	_ =	shalt  }
0x4f: {  	_ =	shalt  }
0x50: {  	_ =	shalt  }
0x51: {  	_ =	shalt  }
0x52: {  	_ =	shalt  }
0x53: {  	_ =	shalt  }
0x54: {  	_ =	shalt  }
0x55: {  	_ =	shalt  }
0x56: {  	_ =	shalt  }
0x57: {  	_ =	shalt  }
0x58: {  	_ =	shalt  }
0x59: {  	_ =	shalt  }
0x5a: {  	_ =	shalt  }
0x5b: {  	_ =	shalt  }
0x5c: {  	_ =	shalt  }
0x5d: {  	_ =	shalt  }
0x5e: {  	_ =	shalt  }
0x5f: {  	_ =	shalt  }
0x60: {  	_ =	shalt  }
0x61: {  	_ =	shalt  }
0x62: {  	_ =	shalt  }
0x63: {  	_ =	shalt  }
0x64: {  	_ =	shalt  }
0x65: {  	_ =	shalt  }
0x66: {  	_ =	shalt  }
0x67: {  	_ =	shalt  }
0x68: {  	_ =	shalt  }
0x69: {  	_ =	shalt  }
0x6a: {  	_ =	shalt  }
0x6b: {  	_ =	shalt  }
0x6c: {  	_ =	shalt  }
0x6d: {  	_ =	shalt  }
0x6e: {  	_ =	shalt  }
0x6f: {  	_ =	shalt  }
0x70: {  	_ =	shalt  }
0x71: {  	_ =	shalt  }
0x72: {  	_ =	shalt  }
0x73: {  	_ =	shalt  }
0x74: {  	_ =	shalt  }
0x75: {  	_ =	shalt  }
0x76: {  	_ =	shalt  }
0x77: {  	_ =	shalt  }
0x78: {  	_ =	shalt  }
0x79: {  	_ =	shalt  }
0x7a: {  	_ =	shalt  }
0x7b: {  	_ =	shalt  }
0x7c: {  	_ =	shalt  }
0x7d: {  	_ =	shalt  }
0x7e: {  	_ =	shalt  }
0x7f: {  	_ =	shalt  }
0x80: {  	_ =	shalt  }
0x81: {  	_ =	shalt  }
0x82: {  	_ =	shalt  }
0x83: {  	_ =	shalt  }
0x84: {  	_ =	shalt  }
0x85: {  	_ =	shalt  }
0x86: {  	_ =	shalt  }
0x87: {  	_ =	shalt  }
.Lfunc_end0:
.L_simem_size_0:
called_computation_lowered:
.L_overlay_start_0:
0x88: {  	s2 =	sld [smem:$0x3FD9]  }
0x89: {  	s3 =	sld [smem:$0x3FFE];
	_ =	sdelay $0x1  }
0x8a: {  	s1 =	srdreg.scid  }
0x8b: {  	s0 =	sand.u32 $0x1, s1  }
0x8c: {  	s14 =	sshll.u32 s0, $0xA;
	s2 =	sadd.s32 s3, s2  }
0x8d: {  	s2 =	sadd.s32 s2, s14  }
0x8e: {  	[smem:$0x3FBE] =	sst s2  }
0x8f: {  	_ = 	snop  }
0x90: {  	s2 =	sld [smem:$0x3FD0];
	_ =	sdelay $0x1  }
0x91: {  	s15 =	sld [smem:$0x3FC8]  }
0x92: {  	s5 =	simm.s32 $0xA;
	s6 =	simm.s32 $0x10;
	s4 =	sld [smem:$0x3FC3]  }
0x93: {  	[smem:s6], [sflag:s5] =	dma.local [hbm:s2], $0x1  }
0x94: {  	_ =	swait.eq [sflag:s5], $0x1  }
0x95: {  	[sflag:s5] =	ssyncset.done $0x0  }
0x96: {  	[sflag:s5] =	ssyncadd.s32 $0xFFFFFFFF  }
0x97: {  	s16 =	sld [smem:$0x12];
	(tm) =	ssettm $0x1  }
0x98: {  	s17 =	sld [smem:$0x3FFB];
	_ =	sdelay $0x3  }
0x99: {  	_ =	strace s17  }
0x9a: {  	s5 =	sld [smem:$0x3FFC];
	_ =	sdelay $0x3  }
0x9b: {  	_ =	strace s5  }
0x9c: {  	s5 =	sld [smem:$0x3FFD];
	_ =	sdelay $0x3  }
0x9d: {  	_ =	strace s5  }
0x9e: {  	_ =	strace $0x8FFFFFFF  }
0x9f: {  	s18 =	sld [smem:$0x3FDB];
	_ =	sdelay $0x1  }
0xa0: {  	s19 =	simm.s32 $_scs_section_size  }
0xa1: {  	s7 =	simm.s32 $_size__tile_overlayer_lowered;
	s8 =	simm.s32 $_tile_overlayer_lowered  }
0xa2: {  	s22 =	simm.s32 $0x1BFF;
	s21 =	sshll.u32 s8, $0x1;
	s5 =	sadd.s32 s19, s18  }
0xa3: {  	s9 =	simm.s32 $0x0;
	s20 =	sshll.u32 s7, $0x1;
	s7 =	sadd.s32 s21, s5  }
0xa4: {  	[timem:s9], [sflag:s22] =	dma.local [hbm:s7], s20  }
0xa5: {  	_ =	swait.ge [sflag:s22], s20  }
0xa6: {  	s6 =	ssub.s32 $0x0, s20;
	[sflag:s22] =	ssyncset.done $0x0  }
0xa7: {  	[sflag:s22] =	ssyncadd.s32 s6;
	_ =	sdelay $0x1  }
0xa8: {  	s23 =	simm.s32 $0x1B8B  }
0xa9: {  	_ =	swait.ge [sflag:s23], $0x1  }
0xaa: {  	[sflag:s23] =	ssyncset.done $0x0  }
0xab: {  	s25 =	simm.s32 $0x1B8E;
	s24 =	sld [smem:$0x3FFE];
	[sflag:s23] =	ssyncadd.s32 $0xFFFFFFFF  }
0xac: {  	s26 =	simm.s32 $execute0_lowered;
	[smem:$0x3FD2] =	sst s25  }
0xad: {  	s7 =	sshll.u32 s26, $0x1;
	_ =	strace $0x80000046;
	[dreg:$0x1] =	wrdreg $0xFFFFFFFF  }
0xae: {  	s28 =	simm.s32 $_size_execute0_lowered;
	s5 =	sadd.s32 s5, s7;
	[dreg:$0x0] =	wrdreg $0x0  }
0xaf: {  	s7 =	sshll.u32 s28, $0x1;
	[dreg:$0x2] =	wrdreg s5  }
0xb0: {  	[dreg:$0x3] =	wrdreg s7  }
0xb1: {  	[dreg:$0x4] =	wrdreg $0xC0  }
0xb2: {  	_ =	task [dreg:s9], $0x5FFFF  }
0xb3: {  	[dreg:$0x1] =	wrdreg $0xFFFFFFFF  }
0xb4: {  	[dreg:$0x0] =	wrdreg $0x60  }
0xb5: {  	[dreg:$0x2] =	wrdreg s24  }
0xb6: {  	[dreg:$0x3] =	wrdreg s15  }
0xb7: {  	[dreg:$0x4] =	wrdreg s4  }
0xb8: {  	[dreg:$0x5] =	wrdreg s16  }
0xb9: {  	[dreg:$0x6] =	wrdreg $0x9  }
0xba: {  	_ =	task.clear_ibuf [dreg:s9], $0x7FFFF;
	_ =	strace $0x90000046  }
0xbb: {  	s29 =	simm.s32 $0x9;
	_ =	strace $0x80000048  }
0xbc: {  	_ =	swait.ge [sflag:s29], $0x1  }
0xbd: {  	[sflag:s29] =	ssyncadd.s32 $0xFFFFFFFF  }
0xbe: {  	_ =	strace $0x90000048  }
0xbf: {  	_ =	sfence  }
0xc0: {  	s30 =	sld [smem:$0x0];
	_ =	sdelay $0x2  }
0xc1: {  	s31 =	sshll.u32 s1, $0xD;
	s1 =	sshrl.u32 s1, $0x2  }
0xc2: {  	s3 =	sand.u32 $0x4000, s31;
	s1 =	sadd.s32 s1, s30  }
0xc3: {  	s0 =	sor.u32 s3, s0;
	s1 =	sshll.u32 s1, $0x11  }
0xc4: {  	s0 =	sor.u32 s1, s0  }
0xc5: {  	s0 =	sadd.s32 $0x8F2B, s0  }
0xc6: {  	[sflag:s0] =	ssyncadd.remote.s32 $0x1  }
0xc7: {  	_ =	sfence.sel $0xFFFF  }
0xc8: {  	[dreg:$0x0] =	wrdreg $0xFFFFFFFF;
	(pc) =	sbr.abs _section_cstart, $3  }
0xc9: {  	[dreg:$0x1] =	wrdreg $0xFFFFFFFF  }
0xca: {  	_ =	task.clear_ibuf [dreg:s9], $0x2FFFF;
	_ =	strace $0x9FFFFFFF  }
0xcb: {  	(tm) =	ssettm $0x7FFFFFFF  }
tec
execute0_lowered:
.L_overlay_start_1:
0x0: {  	(tag) =	ssettag $0x1  }
0x1: {  	s0 =	rddreg [dreg:$0x0]  }
0x2: {  	s1 =	rddreg [dreg:$0x1]  }
0x3: {  	s2 =	rddreg [dreg:$0x2]  }
0x4: {  	s7 =	rddreg [dreg:$0x3]  }
0x5: {  	s3 =	simm.s32 $0x0;
	s4 =	srdreg.scid;
	s12 =	stileid.u32  }
0x6: {  	s22 =	simm.s32 $0x3;
	s23 =	simm.s32 $0x4;
	s28 =	simm.s32 $0x100  }
0x7: {  	s29 =	simm.s32 $0x400;
	s4 =	sand.u32 $0x1, s4;
	s5 =	sshll.u32 s12, $0x1  }
0x8: {  	s30 =	simm.s32 $0x2180;
	s31 =	simm.s32 $0x2580;
	s6 =	sor.u32 s4, s5  }
0x9: {  	s21 =	simm.s32 $0x0;
	[smem:$0x7FF] =	sst s3;
	s10 =	smul.u32 $0x7, s6  }
0xa: {  	v2 =	vlaneseq.u32;
	s8 =	sshll.u32 s12, $0x8;
	p0 =	sgt.u32 s12, $0xA;
	s12 =	simm.s32 $0x5  }
0xb: {  	_ =	strace $0x80000047;
	s8 =	sand.u32 $0xE00, s8;
	s4 =	ssub.s32 $0x2, s4;
	v0 =	vadd.s32 s10, v2  }
0xc: {  	s5 =	sadd.s32 s6, s0;
	s9 =	sshll.u32 s6, $0x5;
	s24 =	sshrl.u32 s4, $0x1;
	v0 =	vmin.u32 v0, $0x99  }
0xd: {  	s25 =	smul.u32 $0x1C0, s6;
	s26 =	sshll.u32 s6, $0x4;
	s6 =	sadd.s32 $0x100, s1;
	v1 =	vshll.u32 v0, $0x2  }
0xe: {  	v4 =	vshrl.u32 v2, $0x3;
	s9 =	sand.u32 $0x60, s9;
	s11 =	ssub.s32 s4, s24;
	s4 =	sadd.s32 $0x1C00, s5;
	v3 =	vand.u32 $0x7, v0;
	v1 =	vand.u32 $0x3E0, v1  }
0xf: {  	v5 =	vor.u32 $0x8, v2;
	s5 =	sadd.s32 $0x1E00, s5;
	s8 =	sor.u32 s8, s9;
	s2 =	sadd.s32 s2, s25;
	v3 =	vor.u32 v3, v1;
	v1 =	vand.u32 $0x7, v2  }
0x10: {  	s11 =	smax.u32 s11, $0x1;
	s25 =	simm.s32 $0x1;
	s0 =	sadd.s32 s8, s0;
	v2 =	vmul.u32 $0x8, v4;
	v4 =	vperm.xlane v3, v1;
	v5 =	vperm.xlane v3, v5  }
0x11: {  	[dreg:$0x5] =	wrdreg s2;
	s8 =	sadd.s32 s7, s26;
	s26 =	simm.s32 $0x2  }
0x12: {  	vm0 =	vmmov $0xffff;
	s9 =	sadd.s32 $0x2000, s0;
	s10 =	sadd.s32 $0x3000, s0;
	s0 =	simm.s32 $0x0;
	v3 =	vadd.s32 v2, v4;
	v4 =	vadd.s32 v2, v5  }
.LBB2_1:
0x13: {  	[tilespmem:s3], [sflag:$0x5] =	stream.linear.gather [hbm4b:s4+s3], $0x8, $0x38;
	[tilespmem:$0x5800] =	vst v63  }
0x14: {  	_ =	swait.ge [sflag:s12], $0x8  }
0x15: {  	[sflag:s12] =	ssyncset.done $0x0  }
0x16: {  	s2 =	simm.s32 $0x80;
	[sflag:s12] =	ssyncadd.s32 $0xFFFFFFF8  }
0x17: {  	[tilespmem:s2], [sflag:$0x5] =	stream.linear.gather [hbm4b:s5+s3], $0x8, $0x38;
	[tilespmem:$0x5800] =	vst v63  }
0x18: {  	_ =	swait.ge [sflag:s12], $0x8  }
0x19: {  	[sflag:s12] =	ssyncset.done $0x0  }
0x1a: {  	[sflag:s12] =	ssyncadd.s32 $0xFFFFFFF8  }
0x1b: {  	v5 =	vld.msk [tilespmem:$0x0], $0xff;
	_ =	sdelay $0x4  }
0x1c: {  	v6 =	vshll.u32 v5, $0x2  }
0x1d: {  	v5 =	vand.u32 $0x7, v5;
	v6 =	vand.u32 $0xFFFFFFE0, v6  }
0x1e: {  	v5 =	vor.u32 v5, v6  }
0x1f: {  	v5 =	vperm.xlane v5, v1;
	_ =	sdelay $0x1  }
0x20: {  	v5 =	vadd.s32 v2, v5;
	_ =	sdelay $0x3  }
0x21: {  	s18 =	simm.s32 $0x180  }
0x22: {  	[tilespmem:s18], [sflag:$0x1] =	stream.indirect_vreg.gather [hbm4b:s1+s3], $0x80, v5, vm0, $0xb8;
	[tilespmem:$0x5800] =	vst v63  }
0x23: {  	s19 =	simm.s32 $0x980  }
0x24: {  	[tilespmem:s19], [sflag:$0x1] =	stream.indirect_vreg.gather [hbm4b:s6+s3], $0x80, v5, vm0, $0xb8;
	[tilespmem:$0x5800] =	vst v63  }
0x25: {  	v5 =	vld.msk [tilespmem:$0x80], $0xff;
	_ =	sdelay $0x4  }
0x26: {  	v6 =	vshll.u32 v5, $0x2  }
0x27: {  	v5 =	vand.u32 $0x7, v5;
	v6 =	vand.u32 $0xFFFFFFE0, v6  }
0x28: {  	v5 =	vor.u32 v5, v6  }
0x29: {  	v5 =	vperm.xlane v5, v1;
	_ =	sdelay $0x1  }
0x2a: {  	v5 =	vadd.s32 v2, v5;
	_ =	sdelay $0x2  }
.Ltmp0:
0x2b: {  	_ = 	snop;
	(pc) =	sbr.rel @p0 .LBB2_5-.Ltmp0, $4  }
0x2c: {  	s20 =	simm.s32 $0x1180  }
0x2d: {  	[tilespmem:s20], [sflag:$0x2] =	stream.indirect_vreg.gather [hbm4b:s1+s3], $0x80, v5, vm0, $0xb8;
	[tilespmem:$0x5800] =	vst v63  }
0x2e: {  	s24 =	simm.s32 $0x1980  }
0x2f: {  	[tilespmem:s24], [sflag:$0x2] =	stream.indirect_vreg.gather [hbm4b:s6+s3], $0x80, v5, vm0, $0xb8;
	v5 =	vimm.f32 $0.0e+00;
	[tilespmem:$0x5800] =	vst v63  }
0x30: {  	_ =	sdelay $0x2  }
0x31: {  	[tilespmem:$0x100] =	vst v0;
	s2 =	simm.s32 $0x0;
	s7 =	simm.s32 $0x2980  }
0x32: {  	[tilespmem:s7], [sflag:$0x3] =	stream.indirect_vreg.gather [hbm4b:s1+s2], $0x80, v3, vm0, $0xb8;
	[tilespmem:$0x5800] =	vst v63  }
0x33: {  	s18 =	simm.s32 $0x3180  }
0x34: {  	[tilespmem:s18], [sflag:$0x3] =	stream.indirect_vreg.gather [hbm4b:s6+s2], $0x80, v3, vm0, $0xb8;
	[tilespmem:$0x5800] =	vst v63  }
0x35: {  	s19 =	simm.s32 $0x3980  }
0x36: {  	[tilespmem:s19], [sflag:$0x3] =	stream.indirect_vreg.gather [hbm4b:s1+s2], $0x80, v4, vm0, $0xb8;
	[tilespmem:$0x5800] =	vst v63  }
0x37: {  	s20 =	simm.s32 $0x4180  }
0x38: {  	[tilespmem:s20], [sflag:$0x3] =	stream.indirect_vreg.gather [hbm4b:s6+s2], $0x80, v4, vm0, $0xb8;
	[tilespmem:$0x5800] =	vst v63  }
0x39: {  	s13 =	rddreg [dreg:$0x5];
	s7 =	simm.s32 $0x4980  }
0x3a: {  	[tilespmem:s7], [sflag:$0x4] =	stream.linear.gather [hbm4b:s13+s2], $0xE00, $0x38;
	[tilespmem:$0x5800] =	vst v63  }
0x3b: {  	_ =	swait.ge [sflag:s22], $0x2000  }
0x3c: {  	[sflag:s22] =	ssyncset.done $0x0  }
0x3d: {  	[sflag:s22] =	ssyncadd.s32 $0xFFFFE000  }
0x3e: {  	_ =	swait.ge [sflag:s23], $0xE00  }
0x3f: {  	s24 =	sand.u32 $0x380, s2;
	s14 =	sand.u32 $0xC00, s2;
	[sflag:s23] =	ssyncset.done $0x0  }
0x40: {  	s18 =	sand.u32 $0x70, s2;
	s13 =	sor.u32 s24, s14;
	[sflag:s23] =	ssyncadd.s32 $0xFFFFF200  }
0x41: {  	s14 =	sor.u32 s18, s13;
	v6 =	vld [tilespmem:s7+$0x0]  }
0x42: {  	v5 =	vimm.f32 $0.0e+00;
	s13 =	simm.s32 $0x4;
	v7 =	vld [tilespmem:s14+$0x2980];
	s14 =	simm.s32 $0x0  }
.LBB2_3:
0x43: {  	s18 =	sand.u32 $0x380, s13  }
0x44: {  	s2 =	sadd.s32 $0x10, s2;
	s14 =	sadd.s32 $0x80, s14;
	p1 =	sne.s32 s13, $0x37C  }
.Ltmp1:
0x45: {  	s13 =	sadd.s32 $0x4, s13;
	s19 =	sand.u32 $0xC00, s14;
	(pc) =	sbr.rel @p1 .LBB2_3-.Ltmp1, $4  }
0x46: {  	s7 =	sadd.s32 $0x10, s7;
	s20 =	sand.u32 $0x70, s2;
	s18 =	sor.u32 s18, s19  }
0x47: {  	s18 =	sor.u32 s20, s18;
	v8 =	vmul.f32 v6, v7;
	v6 =	vld [tilespmem:s7+$0x0]  }
0x48: {  	v7 =	vld [tilespmem:s18+$0x2980]  }
0x49: {  	v5 =	vadd.f32 v8, v5  }
0x4a: {  	_ =	sdelay $0x2  }
0x4b: {  	v6 =	vmul.f32 v6, v7;
	_ =	sdelay $0x1  }
0x4c: {  	v5 =	vadd.f32 v6, v5  }
.LBB2_5:
0x4d: {  	_ = 	snop  }
0x4e: {  	s2 =	simm.s32 $0x0;
	s7 =	simm.s32 $0x5780;
	[tilespmem:$0x5780] =	vst v5  }
0x4f: {  	[hbm4b:s8+s2] =	stream.linear.scatter [tilespmem:s7], [sflag:$0x5], $0x80, $0x38;
	[tilespmem:$0x5800] =	vst v63  }
0x50: {  	_ =	swait.ge [sflag:s12], $0x80  }
0x51: {  	[sflag:s12] =	ssyncset.done $0x0  }
0x52: {  	[sflag:s12] =	ssyncadd.s32 $0xFFFFFF80  }
0x53: {  	_ =	swait.ge [sflag:s25], $0x1000  }
0x54: {  	[sflag:s25] =	ssyncset.done $0x0  }
0x55: {  	[sflag:s25] =	ssyncadd.s32 $0xFFFFF000  }
0x56: {  	s24 =	simm.s32 $0x0;
	_ =	swait.ge [sflag:s26], $0x1000  }
0x57: {  	s20 =	sor.u32 s24, s2;
	[sflag:s26] =	ssyncset.done $0x0  }
0x58: {  	s19 =	sand.u32 $0x70, s2;
	s15 =	sor.u32 $0x180, s20;
	[sflag:s26] =	ssyncadd.s32 $0xFFFFF000  }
0x59: {  	s18 =	sor.u32 s19, s24;
	v5 =	vld [tilespmem:s15+$0x180]  }
0x5a: {  	v6 =	vld [tilespmem:s18+$0x280]  }
0x5b: {  	v7 =	vld [tilespmem:s18+$0x200]  }
0x5c: {  	v8 =	vld [tilespmem:s18+$0x180];
	_ =	sdelay $0x4  }
0x5d: {  	v5 =	vmax.f32 v6, v5;
	v6 =	vmax.f32 v8, v7  }
0x5e: {  	s14 =	sor.u32 s19, s21;
	v5 =	vmax.f32 v6, v5  }
0x5f: {  	[tilespmem:s14+$0x2180] =	vst v5  }
0x60: {  	v5 =	vld [tilespmem:s18+$0x1180]  }
0x61: {  	v6 =	vld [tilespmem:s18+$0x1200];
	_ =	sdelay $0x2  }
0x62: {  	v7 =	vld [tilespmem:s18+$0x1280];
	_ =	sdelay $0x1  }
0x63: {  	v6 =	vadd.f32 v6, v5;
	v5 =	vld [tilespmem:s15+$0x1180];
	_ =	sdelay $0x2  }
0x64: {  	s13 =	simm.s32 $0x1;
	s7 =	simm.s32 $0x0;
	v6 =	vadd.f32 v7, v6  }
.LBB2_6:
0x65: {  	p1 =	sne.s32 s13, $0x1F  }
0x66: {  	s7 =	sadd.s32 $0x10, s7;
	s15 =	smov.u32 s13;
	s13 =	sadd.s32 $0x1, s13;
	v5 =	vadd.f32 v5, v6  }
0x67: {  	s15 =	sshrl.u32 s15, $0x3  }
0x68: {  	s16 =	sshll.u32 s15, $0xA;
	v5 =	vmul.f32 $2.500000000e-01, v5  }
0x69: {  	s17 =	sand.u32 $0x70, s7;
	s24 =	sor.u32 s16, s7  }
0x6a: {  	s16 =	sor.u32 s17, s16;
	s24 =	sor.u32 $0x180, s24;
	[tilespmem:s14+$0x2580] =	vst v5  }
0x6b: {  	v5 =	vld [tilespmem:s24+$0x180]  }
0x6c: {  	v6 =	vld [tilespmem:s16+$0x280]  }
0x6d: {  	v7 =	vld [tilespmem:s16+$0x200]  }
0x6e: {  	v8 =	vld [tilespmem:s16+$0x180];
	_ =	sdelay $0x2  }
0x6f: {  	v5 =	vmax.f32 v6, v5;
	_ =	sdelay $0x1  }
0x70: {  	s14 =	sshll.u32 s15, $0x8;
	v6 =	vmax.f32 v8, v7  }
0x71: {  	s14 =	sor.u32 s17, s14;
	v5 =	vmax.f32 v6, v5  }
0x72: {  	[tilespmem:s14+$0x2180] =	vst v5  }
0x73: {  	v6 =	vld [tilespmem:s16+$0x1180]  }
0x74: {  	v7 =	vld [tilespmem:s16+$0x1200]  }
0x75: {  	v8 =	vld [tilespmem:s16+$0x1280];
	_ =	sdelay $0x1  }
.Ltmp2:
0x76: {  	v5 =	vld [tilespmem:s24+$0x1180];
	(pc) =	sbr.rel @p1 .LBB2_6-.Ltmp2, $3  }
0x77: {  	_ = 	snop  }
0x78: {  	v6 =	vadd.f32 v7, v6;
	_ =	sdelay $0x1  }
0x79: {  	v6 =	vadd.f32 v8, v6  }
0x7a: {  	_ = 	snop  }
0x7b: {  	v5 =	vadd.f32 v5, v6;
	_ =	sdelay $0x1  }
0x7c: {  	v5 =	vmul.f32 $2.500000000e-01, v5;
	_ =	sdelay $0x1  }
0x7d: {  	s24 =	sor.u32 $0x380, s20;
	[tilespmem:s14+$0x2580] =	vst v5  }
0x7e: {  	v5 =	vld [tilespmem:s24+$0x180]  }
0x7f: {  	v6 =	vld [tilespmem:s18+$0x480]  }
0x80: {  	v7 =	vld [tilespmem:s18+$0x400]  }
0x81: {  	v8 =	vld [tilespmem:s18+$0x380];
	_ =	sdelay $0x4  }
0x82: {  	v5 =	vmax.f32 v6, v5;
	v6 =	vmax.f32 v8, v7  }
0x83: {  	s7 =	sor.u32 s19, s21;
	v5 =	vmax.f32 v6, v5  }
0x84: {  	[tilespmem:s7+$0x2200] =	vst v5  }
0x85: {  	v5 =	vld [tilespmem:s18+$0x1380]  }
0x86: {  	v6 =	vld [tilespmem:s18+$0x1400];
	_ =	sdelay $0x2  }
0x87: {  	v7 =	vld [tilespmem:s18+$0x1480];
	_ =	sdelay $0x1  }
0x88: {  	v6 =	vadd.f32 v6, v5;
	v5 =	vld [tilespmem:s24+$0x1180];
	_ =	sdelay $0x2  }
0x89: {  	s13 =	simm.s32 $0x1;
	v6 =	vadd.f32 v7, v6  }
.LBB2_8:
0x8a: {  	p1 =	sne.s32 s13, $0x1F  }
0x8b: {  	s2 =	sadd.s32 $0x10, s2;
	s14 =	smov.u32 s13;
	s13 =	sadd.s32 $0x1, s13;
	v5 =	vadd.f32 v5, v6  }
0x8c: {  	s14 =	sshrl.u32 s14, $0x3  }
0x8d: {  	s15 =	sshll.u32 s14, $0xA;
	v5 =	vmul.f32 $2.500000000e-01, v5  }
0x8e: {  	s16 =	sand.u32 $0x70, s2;
	s17 =	sor.u32 s15, s2  }
0x8f: {  	s15 =	sor.u32 s16, s15;
	s17 =	sor.u32 $0x380, s17;
	[tilespmem:s7+$0x2600] =	vst v5  }
0x90: {  	v5 =	vld [tilespmem:s17+$0x180]  }
0x91: {  	v6 =	vld [tilespmem:s15+$0x480]  }
0x92: {  	v7 =	vld [tilespmem:s15+$0x400]  }
0x93: {  	v8 =	vld [tilespmem:s15+$0x380];
	_ =	sdelay $0x2  }
0x94: {  	v5 =	vmax.f32 v6, v5;
	_ =	sdelay $0x1  }
0x95: {  	s7 =	sshll.u32 s14, $0x8;
	v6 =	vmax.f32 v8, v7  }
0x96: {  	s7 =	sor.u32 s16, s7;
	v5 =	vmax.f32 v6, v5  }
0x97: {  	[tilespmem:s7+$0x2200] =	vst v5  }
0x98: {  	v6 =	vld [tilespmem:s15+$0x1380]  }
0x99: {  	v7 =	vld [tilespmem:s15+$0x1400]  }
0x9a: {  	v8 =	vld [tilespmem:s15+$0x1480];
	_ =	sdelay $0x1  }
.Ltmp3:
0x9b: {  	v5 =	vld [tilespmem:s17+$0x1180];
	(pc) =	sbr.rel @p1 .LBB2_8-.Ltmp3, $3  }
0x9c: {  	_ = 	snop  }
0x9d: {  	v6 =	vadd.f32 v7, v6;
	_ =	sdelay $0x1  }
0x9e: {  	v6 =	vadd.f32 v8, v6  }
0x9f: {  	_ = 	snop  }
0xa0: {  	v5 =	vadd.f32 v5, v6;
	_ =	sdelay $0x1  }
0xa1: {  	v5 =	vmul.f32 $2.500000000e-01, v5;
	_ =	sdelay $0x1  }
0xa2: {  	[tilespmem:s7+$0x2600] =	vst v5  }
0xa3: {  	[hbm4b:s9+s28] =	stream.strided.scatter [tilespmem:s30], [sflag:$0x5], $0x400, s29, s28, $0x38;
	[tilespmem:$0x5800] =	vst v63  }
0xa4: {  	s0 =	sadd.s32 $0x1, s0;
	_ =	swait.ge [sflag:s12], $0x400  }
0xa5: {  	p1 =	sne.s32 s0, s11;
	[sflag:s12] =	ssyncset.done $0x0  }
.Ltmp4:
0xa6: {  	[sflag:s12] =	ssyncadd.s32 $0xFFFFFC00;
	(pc) =	sbr.rel @p1 .LBB2_1-.Ltmp4, $4  }
0xa7: {  	[hbm4b:s10+s28] =	stream.strided.scatter [tilespmem:s31], [sflag:$0x5], $0x400, s29, s28, $0x38;
	[tilespmem:$0x5800] =	vst v63  }
0xa8: {  	_ =	swait.ge [sflag:s12], $0x400  }
0xa9: {  	[sflag:s12] =	ssyncset.done $0x0  }
0xaa: {  	[sflag:s12] =	ssyncadd.s32 $0xFFFFFC00  }
0xab: {  	_ =	sfence.sel $0x180000  }
0xac: {  	[bflag:$0x0] =	sbarrier.arrive $0xFFFF  }
0xad: {  	_ =	strace $0x90000047  }
0xae: {  	s0 =	stileid.u32;
	[bflag:$0x2] =	sbarrier.arrive $0xFFFF  }
0xaf: {  	p0 =	sne.s32 s0, $0x0;
	s0 =	rddreg [dreg:$0x4]  }
0xb0: {  	s0 =	sadd.s32 @!p0 $0x100000, s0  }
0xb1: {  	[sflag:s0] =	ssyncadd.tile.s32 @!p0 $0x1;
	_ =	shalt  }
.Lfunc_end2:
_tile_overlayer_lowered:
.L_overlay_start_2:
0xb2: {  	(tag) =	ssettag $0x2  }
0xb3: {  	s0 =	rddreg [dreg:$0x0];
	s2 =	stileid.u32  }
0xb4: {  	s1 =	rddreg [dreg:$0x1];
	p0 =	sne.s32 s2, $0x0  }
0xb5: {  	s3 =	rddreg [dreg:$0x2];
	[bflag:$0x3] =	sbarrier.arrive $0xFFFF;
	s2 =	simm.s32 @!p0 $0x1C05  }
0xb6: {  	[timem:s3], [sflag:s2] =	dma.local @!p0 [hbm:s0], s1  }
0xb7: {  	s0 =	simm.s32 @!p0 $0x5  }
0xb8: {  	_ =	swait.ge @!p0 [sflag:s0], s1  }
0xb9: {  	s1 =	ssub.s32 @!p0 $0x0, s1;
	[sflag:s0] =	ssyncset.done @!p0 $0x0  }
0xba: {  	[sflag:s0] =	ssyncadd.s32 @!p0 s1  }
0xbb: {  	[bflag:$0x3] =	sbarrier.arrive $0xFFFF  }
0xbc: {  	_ =	shalt  }

</sc_bundles>
